<compile_context>
chip_gen: v7x
topology: tpu7x:2x2x1
jax: 0.10.2.dev20260603
libtpu: 0.0.44.dev20260713+nightly
codegen_flags: <defaults>
</compile_context>

<pallas_src>
import functools

import jax
import jax.numpy as jnp
from jax import lax
from jax.experimental import pallas as pl
from jax.experimental.pallas import tpu as pltpu
from jax.experimental.pallas import tpu_sc as plsc

N = 10000
E = 320000
D = 128
H = 128
R = 4
T = 2
L = 2

NC = 2
NS = 16
NW = NC * NS

K = 128
CHUNKS = 80
E_PAD = NW * CHUNKS * K
N_ACC = 10112
ROWS_PER_TILE = N_ACC // NS



def _msg_body(h_ref, w1_ref, b1_ref, w2_ref, b2_ref, out_ref):
    h = h_ref[...]
    for r in range(R):
        m1 = jnp.maximum(
            jnp.dot(h, w1_ref[r], preferred_element_type=jnp.float32)
            + b1_ref[r][None, :],
            0.0,
        )
        out_ref[r] = (jnp.dot(m1, w2_ref[r], preferred_element_type=jnp.float32)
                      + b2_ref[r][None, :])


def _messages(h, We1, be1, We2, be2, bn):
    nb = N // bn
    return pl.pallas_call(
        _msg_body,
        grid=(nb,),
        in_specs=[
            pl.BlockSpec((bn, D), lambda i: (i, 0)),
            pl.BlockSpec((R, D, H), lambda i: (0, 0, 0)),
            pl.BlockSpec((R, H), lambda i: (0, 0)),
            pl.BlockSpec((R, H, D), lambda i: (0, 0, 0)),
            pl.BlockSpec((R, D), lambda i: (0, 0)),
        ],
        out_specs=pl.BlockSpec((R, bn, D), lambda i: (0, i, 0)),
        out_shape=jax.ShapeDtypeStruct((R, N, D), jnp.float32),
    )(h, We1, be1, We2, be2)



_PREP_BR = 512


def _prep_body(src_ref, et_ref, dst_ref, ri_ref, dstpad_ref):
    i = pl.program_id(0)
    rows = lax.broadcasted_iota(jnp.int32, (_PREP_BR, K), 0)
    cols = lax.broadcasted_iota(jnp.int32, (_PREP_BR, K), 1)
    flat = (i * _PREP_BR + rows) * K + cols
    mask = flat < E
    ri_ref[...] = jnp.where(mask, et_ref[...] * N + src_ref[...], flat % N)
    dstpad_ref[...] = jnp.where(mask, dst_ref[...], N + flat % (N_ACC - N))


def _edge_prep(src2d, et2d, dst2d):
    rows_out = E_PAD // K
    grid = rows_out // _PREP_BR
    return pl.pallas_call(
        _prep_body,
        grid=(grid,),
        in_specs=[
            pl.BlockSpec((_PREP_BR, K), lambda i: (i, 0)),
            pl.BlockSpec((_PREP_BR, K), lambda i: (i, 0)),
            pl.BlockSpec((_PREP_BR, K), lambda i: (i, 0)),
        ],
        out_specs=[
            pl.BlockSpec((_PREP_BR, K), lambda i: (i, 0)),
            pl.BlockSpec((_PREP_BR, K), lambda i: (i, 0)),
        ],
        out_shape=[
            jax.ShapeDtypeStruct((rows_out, K), jnp.int32),
            jax.ShapeDtypeStruct((rows_out, K), jnp.int32),
        ],
    )(src2d, et2d, dst2d)



def _sc_scatter_body(m_hbm, rowidx_hbm, dst_hbm, zeros_hbm, out_hbm,
                     idx_v, dstv, rows0, rows1, agg_sh, sem0, sem1):
    c = lax.axis_index("c")
    s = lax.axis_index("s")
    gw = s * NC + c

    r0 = s * ROWS_PER_TILE
    pltpu.sync_copy(zeros_hbm.at[pl.ds(r0, ROWS_PER_TILE)],
                    agg_sh.at[pl.ds(r0, ROWS_PER_TILE)])

    plsc.subcore_barrier()

    half = CHUNKS // 2
    for g in range(2):
        pltpu.sync_copy(rowidx_hbm.at[gw].at[pl.ds(g * half, half)], idx_v)
        pltpu.sync_copy(dst_hbm.at[gw].at[pl.ds(g * half, half)], dstv)
        pltpu.async_copy(m_hbm.at[idx_v.at[0]], rows0, sem0)

        def body(i, carry):
            j = 2 * i
            pltpu.async_copy(m_hbm.at[idx_v.at[j + 1]], rows1, sem1)
            pltpu.make_async_copy(m_hbm.at[idx_v.at[j]], rows0, sem0).wait()
            pltpu.sync_copy(rows0, agg_sh.at[dstv.at[j]], add=True)

            @pl.when(j + 2 < half)
            def _():
                pltpu.async_copy(m_hbm.at[idx_v.at[j + 2]], rows0, sem0)

            pltpu.make_async_copy(m_hbm.at[idx_v.at[j + 1]], rows1, sem1).wait()
            pltpu.sync_copy(rows1, agg_sh.at[dstv.at[j + 1]], add=True)
            return carry

        lax.fori_loop(0, half // 2, body, 0)
    plsc.subcore_barrier()

    pltpu.sync_copy(agg_sh.at[pl.ds(r0, ROWS_PER_TILE)],
                    out_hbm.at[c].at[pl.ds(r0, ROWS_PER_TILE)])


@functools.lru_cache(maxsize=1)
def _sc_scatter_kernel():
    return pl.kernel(
        _sc_scatter_body,
        mesh=plsc.VectorSubcoreMesh(
            core_axis_name="c", subcore_axis_name="s",
            num_cores=NC, num_subcores=NS,
        ),
        out_type=jax.ShapeDtypeStruct((NC, N_ACC, D), jnp.float32),
        scratch_types=[
            pltpu.VMEM((CHUNKS // 2, K), jnp.int32),
            pltpu.VMEM((CHUNKS // 2, K), jnp.int32),
            pltpu.VMEM((K, D), jnp.float32),
            pltpu.VMEM((K, D), jnp.float32),
            pltpu.VMEM_SHARED((N_ACC, D), jnp.float32),
            pltpu.SemaphoreType.DMA,
            pltpu.SemaphoreType.DMA,
        ],
    )



def _update_body(h_ref, parts_ref, nt_ref, w1_ref, b1_ref, w2_ref, b2_ref, out_ref):
    h = h_ref[...]
    agg = parts_ref[0] + parts_ref[1]
    z = jnp.concatenate([h, agg], axis=1)
    nt = nt_ref[...]
    acc = h
    for t in range(T):
        u1 = jnp.maximum(
            jnp.dot(z, w1_ref[t], preferred_element_type=jnp.float32) + b1_ref[t][None, :],
            0.0,
        )
        u = jnp.dot(u1, w2_ref[t], preferred_element_type=jnp.float32) + b2_ref[t][None, :]
        acc = jnp.where(nt == t, u, acc)
    out_ref[...] = acc


def _update(h, parts, nt3, Wn1, bn1, Wn2, bn2, bn):
    nb = N // bn
    return pl.pallas_call(
        _update_body,
        grid=(nb,),
        in_specs=[
            pl.BlockSpec((bn, D), lambda i: (i, 0)),
            pl.BlockSpec((NC, bn, D), lambda i: (0, i, 0)),
            pl.BlockSpec((bn, 1), lambda i: (i, 0)),
            pl.BlockSpec((T, 2 * D, H), lambda i: (0, 0, 0)),
            pl.BlockSpec((T, H), lambda i: (0, 0)),
            pl.BlockSpec((T, H, D), lambda i: (0, 0, 0)),
            pl.BlockSpec((T, D), lambda i: (0, 0)),
        ],
        out_specs=pl.BlockSpec((bn, D), lambda i: (i, 0)),
        out_shape=jax.ShapeDtypeStruct((N, D), jnp.float32),
    )(h, parts, nt3, Wn1, bn1, Wn2, bn2)



def kernel(node_feature, edge_index, edge_types, node_types,
           update_node_type_indices, update_edge_type_indices,
           We1, be1, We2, be2, Wn1, bn1, Wn2, bn2):
    del update_node_type_indices, update_edge_type_indices

    src = edge_index[0].astype(jnp.int32)
    dst = edge_index[1].astype(jnp.int32)
    et = edge_types.astype(jnp.int32)

    ri2d, dstpad2d = _edge_prep(src.reshape(E // K, K), et.reshape(E // K, K),
                                dst.reshape(E // K, K))
    rowidx3 = ri2d.reshape(NW, CHUNKS, K)
    dst3 = dstpad2d.reshape(NW, CHUNKS, K)

    zeros_acc = jnp.zeros((N_ACC, D), jnp.float32)
    nt3 = node_types.astype(jnp.int32).reshape(N, 1)

    bn = 2000
    h = node_feature
    for l in range(L):
        m = _messages(h, We1[l], be1[l], We2[l], be2[l], bn=2000)
        m_flat = m.reshape(R * N, D)
        parts = _sc_scatter_kernel()(m_flat, rowidx3, dst3, zeros_acc)
        h = _update(h, parts, nt3, Wn1[l], bn1[l], Wn2[l], bn2[l], bn=bn)
    return h

# --- scband reference (transcript-rebuilt; emitter-appended) ---
"""Pipeline reference for scband-relational-graph-network-32581621907909 (READ-ONLY COPY).

The authoritative reference and input builder live on the scoring server;
editing this copy changes nothing except your own understanding.
"""

import jax, jax.numpy as jnp
import numpy as np

N = 10000
E = 320000
D = 128   # model_dim
H = 128   # num_neurons hidden
R = 4     # num_relations (edge types)
T = 2     # num node types
L = 2     # num_layers


def setup_inputs(seed: int = 0) -> dict:
    key = jax.random.key(seed)
    ks = jax.random.split(key, 16)
    node_feature = jax.random.normal(ks[0], (N, D), dtype=jnp.float32)
    edge_index = jax.random.randint(ks[1], (2, E), 0, N)
    edge_types = jax.random.randint(ks[2], (E,), 0, R)
    node_types = jax.random.randint(ks[3], (N,), 0, T)
    update_node_type_indices = jnp.arange(T)
    update_edge_type_indices = jnp.arange(R)
    # per-layer, per-relation edge-message MLP (D -> H -> D)
    We1 = jax.random.normal(ks[4], (L, R, D, H), dtype=jnp.float32) / np.sqrt(D)
    be1 = jnp.zeros((L, R, H), dtype=jnp.float32)
    We2 = jax.random.normal(ks[5], (L, R, H, D), dtype=jnp.float32) / np.sqrt(H)
    be2 = jnp.zeros((L, R, D), dtype=jnp.float32)
    # per-layer, per-node-type node-update MLP on concat([h, agg]) (2D -> H -> D)
    Wn1 = jax.random.normal(ks[6], (L, T, 2 * D, H), dtype=jnp.float32) / np.sqrt(2 * D)
    bn1 = jnp.zeros((L, T, H), dtype=jnp.float32)
    Wn2 = jax.random.normal(ks[7], (L, T, H, D), dtype=jnp.float32) / np.sqrt(H)
    bn2 = jnp.zeros((L, T, D), dtype=jnp.float32)
    return {
        "node_feature": node_feature,
        "edge_index": edge_index,
        "edge_types": edge_types,
        "node_types": node_types,
        "update_node_type_indices": update_node_type_indices,
        "update_edge_type_indices": update_edge_type_indices,
        "We1": We1, "be1": be1, "We2": We2, "be2": be2,
        "Wn1": Wn1, "bn1": bn1, "Wn2": Wn2, "bn2": bn2,
    }


def reference(node_feature, edge_index, edge_types, node_types,
              update_node_type_indices, update_edge_type_indices,
              We1, be1, We2, be2, Wn1, bn1, Wn2, bn2):
    src = edge_index[0]
    dst = edge_index[1]
    h = node_feature
    for l in range(L):
        # relational message passing: per edge-type MLP on source nodes,
        # gather to edges, mask by edge type, scatter-add to dst.
        agg = jnp.zeros((N, D), dtype=h.dtype)
        for r in range(R):
            include_r = jnp.any(update_edge_type_indices == r).astype(h.dtype)
            m = jax.nn.relu(h @ We1[l, r] + be1[l, r]) @ We2[l, r] + be2[l, r]
            mask = (edge_types == r).astype(h.dtype) * include_r
            edge_m = jnp.take(m, src, axis=0) * mask[:, None]
            agg = agg + jax.ops.segment_sum(edge_m, dst, num_segments=N)
        # node update: concat(h, agg), per node-type MLP, select by node type
        z = jnp.concatenate([h, agg], axis=-1)
        new_h = h
        for t in range(T):
            include_t = jnp.any(update_node_type_indices == t).astype(h.dtype)
            u = jax.nn.relu(z @ Wn1[l, t] + bn1[l, t]) @ Wn2[l, t] + bn2[l, t]
            sel = ((node_types == t).astype(h.dtype) * include_t)[:, None]
            new_h = new_h * (1.0 - sel) + u * sel
        h = new_h
    return h

if __name__ == "__main__":
    import jax
    _d = setup_inputs()
    print(jax.jit(kernel)(*tuple(_d.values())))

</pallas_src>

<mosaic_0001>
#map = affine_map<(d0, d1) -> (0, 0)>
#map1 = affine_map<(d0, d1) -> (0, 0, 0)>
module attributes {stable_mosaic.version = 14 : i64} {
  func.func @_sc_scatter_body(%arg0: i32, %arg1: i32, %arg2: memref<40000x128xf32, #tpu.memory_space<hbm>>, %arg3: memref<32x80x128xi32, #tpu.memory_space<hbm>>, %arg4: memref<32x80x128xi32, #tpu.memory_space<hbm>>, %arg5: memref<10112x128xf32, #tpu.memory_space<hbm>>, %arg6: memref<2x10112x128xf32, #tpu.memory_space<hbm>>, %arg7: memref<40x128xi32, #tpu.memory_space<vmem>>, %arg8: memref<40x128xi32, #tpu.memory_space<vmem>>, %arg9: memref<128x128xf32, #tpu.memory_space<vmem>>, %arg10: memref<128x128xf32, #tpu.memory_space<vmem>>, %arg11: memref<10112x128xf32, #tpu.memory_space<vmem_shared>>, %arg12: memref<!tpu.dma_semaphore, #tpu.memory_space<semaphore_mem>>, %arg13: memref<!tpu.dma_semaphore, #tpu.memory_space<semaphore_mem>>) attributes {dimension_semantics = [#tpu.dimension_semantics<core_parallel>, #tpu.dimension_semantics<subcore_parallel>], iteration_bounds = array<i64: 2, 16>, scalar_prefetch = 0 : i64, scratch_operands = 7 : i64, tpu.core_type = #tpu.core_type<sc_vector_subcore>, window_params = [{transform_indices = #map}, {transform_indices = #map1}, {transform_indices = #map1}, {transform_indices = #map}, {transform_indices = #map1}]} {
    %mul3A = arith.constant 2 : i32
    %mul3A_0 = arith.muli %arg1, %mul3A : i32
    %add3A = arith.addi %mul3A_0, %arg0 : i32
    %mul3A_1 = arith.constant 632 : i32
    %mul3A_2 = arith.muli %arg1, %mul3A_1 : i32
    "tpu.region"() ({
      %run_scoped3A = tpu.sem_alloc : memref<!tpu.dma_semaphore, #tpu.memory_space<semaphore_mem>>
      %dma_start3A_28 = arith.constant 0 : i32
      %dma_start3A_29 = tpu.memref_slice %arg11[%mul3A_2, %dma_start3A_28] : memref<10112x128xf32, #tpu.memory_space<vmem_shared>> -> memref<632x128xf32, #tpu.memory_space<vmem_shared>>
      %dma_start3A_30 = arith.constant 0 : i32
      %dma_start3A_31 = tpu.memref_slice %arg5[%mul3A_2, %dma_start3A_30] : memref<10112x128xf32, #tpu.memory_space<hbm>> -> memref<632x128xf32, #tpu.memory_space<hbm>>
      tpu.enqueue_dma source(%dma_start3A_31 : memref<632x128xf32, #tpu.memory_space<hbm>>) target(%dma_start3A_29 : memref<632x128xf32, #tpu.memory_space<vmem_shared>>) target_semaphore(%run_scoped3A : memref<!tpu.dma_semaphore, #tpu.memory_space<semaphore_mem>>)
      %dma_wait3A = arith.constant 0 : i32
      %dma_wait3A_32 = tpu.memref_slice %arg11[%mul3A_2, %dma_wait3A] : memref<10112x128xf32, #tpu.memory_space<vmem_shared>> -> memref<632x128xf32, #tpu.memory_space<vmem_shared>>
      %dma_wait3A_33 = arith.constant 0 : i32
      %dma_wait3A_34 = tpu.memref_slice %arg5[%mul3A_2, %dma_wait3A_33] : memref<10112x128xf32, #tpu.memory_space<hbm>> -> memref<632x128xf32, #tpu.memory_space<hbm>>
      tpu.wait_dma2 semaphore(%run_scoped3A : memref<!tpu.dma_semaphore, #tpu.memory_space<semaphore_mem>>) src(%dma_wait3A_34 : memref<632x128xf32, #tpu.memory_space<hbm>>) dst(%dma_wait3A_32 : memref<632x128xf32, #tpu.memory_space<vmem_shared>>)
      tpu.yield
    }) : () -> ()
    %barrier3A = arith.constant 0 : index
    tpu.barrier barrier_id(%barrier3A)
    "tpu.region"() ({
      %run_scoped3A = tpu.sem_alloc : memref<!tpu.dma_semaphore, #tpu.memory_space<semaphore_mem>>
      %dma_start3A_28 = arith.constant 0 : i32
      %dma_start3A_29 = arith.constant 0 : i32
      %dma_start3A_30 = tpu.memref_slice %arg3[%add3A, %dma_start3A_28, %dma_start3A_29] : memref<32x80x128xi32, #tpu.memory_space<hbm>> -> memref<1x80x128xi32, #tpu.memory_space<hbm>>
      %dma_start3A_31 = tpu.memref_squeeze %dma_start3A_30 : memref<1x80x128xi32, #tpu.memory_space<hbm>> -> memref<80x128xi32, #tpu.memory_space<hbm>>
      %dma_start3A_32 = arith.constant 0 : i32
      %dma_start3A_33 = arith.constant 0 : i32
      %dma_start3A_34 = tpu.memref_slice %dma_start3A_31[%dma_start3A_32, %dma_start3A_33] : memref<80x128xi32, #tpu.memory_space<hbm>> -> memref<40x128xi32, #tpu.memory_space<hbm>>
      %dma_start3A_35 = arith.constant 0 : i32
      %dma_start3A_36 = arith.constant 0 : i32
      %dma_start3A_37 = tpu.memref_slice %arg3[%add3A, %dma_start3A_35, %dma_start3A_36] : memref<32x80x128xi32, #tpu.memory_space<hbm>> -> memref<1x80x128xi32, #tpu.memory_space<hbm>>
      %dma_start3A_38 = tpu.memref_squeeze %dma_start3A_37 : memref<1x80x128xi32, #tpu.memory_space<hbm>> -> memref<80x128xi32, #tpu.memory_space<hbm>>
      %dma_start3A_39 = arith.constant 0 : i32
      %dma_start3A_40 = arith.constant 0 : i32
      %dma_start3A_41 = tpu.memref_slice %dma_start3A_38[%dma_start3A_39, %dma_start3A_40] : memref<80x128xi32, #tpu.memory_space<hbm>> -> memref<40x128xi32, #tpu.memory_space<hbm>>
      tpu.enqueue_dma source(%dma_start3A_41 : memref<40x128xi32, #tpu.memory_space<hbm>>) target(%arg7 : memref<40x128xi32, #tpu.memory_space<vmem>>) target_semaphore(%run_scoped3A : memref<!tpu.dma_semaphore, #tpu.memory_space<semaphore_mem>>)
      %dma_wait3A = arith.constant 0 : i32
      %dma_wait3A_42 = arith.constant 0 : i32
      %dma_wait3A_43 = tpu.memref_slice %arg3[%add3A, %dma_wait3A, %dma_wait3A_42] : memref<32x80x128xi32, #tpu.memory_space<hbm>> -> memref<1x80x128xi32, #tpu.memory_space<hbm>>
      %dma_wait3A_44 = tpu.memref_squeeze %dma_wait3A_43 : memref<1x80x128xi32, #tpu.memory_space<hbm>> -> memref<80x128xi32, #tpu.memory_space<hbm>>
      %dma_wait3A_45 = arith.constant 0 : i32
      %dma_wait3A_46 = arith.constant 0 : i32
      %dma_wait3A_47 = tpu.memref_slice %dma_wait3A_44[%dma_wait3A_45, %dma_wait3A_46] : memref<80x128xi32, #tpu.memory_space<hbm>> -> memref<40x128xi32, #tpu.memory_space<hbm>>
      %dma_wait3A_48 = arith.constant 0 : i32
      %dma_wait3A_49 = arith.constant 0 : i32
      %dma_wait3A_50 = tpu.memref_slice %arg3[%add3A, %dma_wait3A_48, %dma_wait3A_49] : memref<32x80x128xi32, #tpu.memory_space<hbm>> -> memref<1x80x128xi32, #tpu.memory_space<hbm>>
      %dma_wait3A_51 = tpu.memref_squeeze %dma_wait3A_50 : memref<1x80x128xi32, #tpu.memory_space<hbm>> -> memref<80x128xi32, #tpu.memory_space<hbm>>
      %dma_wait3A_52 = arith.constant 0 : i32
      %dma_wait3A_53 = arith.constant 0 : i32
      %dma_wait3A_54 = tpu.memref_slice %dma_wait3A_51[%dma_wait3A_52, %dma_wait3A_53] : memref<80x128xi32, #tpu.memory_space<hbm>> -> memref<40x128xi32, #tpu.memory_space<hbm>>
      tpu.wait_dma2 semaphore(%run_scoped3A : memref<!tpu.dma_semaphore, #tpu.memory_space<semaphore_mem>>) src(%dma_wait3A_54 : memref<40x128xi32, #tpu.memory_space<hbm>>) dst(%arg7 : memref<40x128xi32, #tpu.memory_space<vmem>>)
      tpu.yield
    }) : () -> ()
    "tpu.region"() ({
      %run_scoped3A = tpu.sem_alloc : memref<!tpu.dma_semaphore, #tpu.memory_space<semaphore_mem>>
      %dma_start3A_28 = arith.constant 0 : i32
      %dma_start3A_29 = arith.constant 0 : i32
      %dma_start3A_30 = tpu.memref_slice %arg4[%add3A, %dma_start3A_28, %dma_start3A_29] : memref<32x80x128xi32, #tpu.memory_space<hbm>> -> memref<1x80x128xi32, #tpu.memory_space<hbm>>
      %dma_start3A_31 = tpu.memref_squeeze %dma_start3A_30 : memref<1x80x128xi32, #tpu.memory_space<hbm>> -> memref<80x128xi32, #tpu.memory_space<hbm>>
      %dma_start3A_32 = arith.constant 0 : i32
      %dma_start3A_33 = arith.constant 0 : i32
      %dma_start3A_34 = tpu.memref_slice %dma_start3A_31[%dma_start3A_32, %dma_start3A_33] : memref<80x128xi32, #tpu.memory_space<hbm>> -> memref<40x128xi32, #tpu.memory_space<hbm>>
      %dma_start3A_35 = arith.constant 0 : i32
      %dma_start3A_36 = arith.constant 0 : i32
      %dma_start3A_37 = tpu.memref_slice %arg4[%add3A, %dma_start3A_35, %dma_start3A_36] : memref<32x80x128xi32, #tpu.memory_space<hbm>> -> memref<1x80x128xi32, #tpu.memory_space<hbm>>
      %dma_start3A_38 = tpu.memref_squeeze %dma_start3A_37 : memref<1x80x128xi32, #tpu.memory_space<hbm>> -> memref<80x128xi32, #tpu.memory_space<hbm>>
      %dma_start3A_39 = arith.constant 0 : i32
      %dma_start3A_40 = arith.constant 0 : i32
      %dma_start3A_41 = tpu.memref_slice %dma_start3A_38[%dma_start3A_39, %dma_start3A_40] : memref<80x128xi32, #tpu.memory_space<hbm>> -> memref<40x128xi32, #tpu.memory_space<hbm>>
      tpu.enqueue_dma source(%dma_start3A_41 : memref<40x128xi32, #tpu.memory_space<hbm>>) target(%arg8 : memref<40x128xi32, #tpu.memory_space<vmem>>) target_semaphore(%run_scoped3A : memref<!tpu.dma_semaphore, #tpu.memory_space<semaphore_mem>>)
      %dma_wait3A = arith.constant 0 : i32
      %dma_wait3A_42 = arith.constant 0 : i32
      %dma_wait3A_43 = tpu.memref_slice %arg4[%add3A, %dma_wait3A, %dma_wait3A_42] : memref<32x80x128xi32, #tpu.memory_space<hbm>> -> memref<1x80x128xi32, #tpu.memory_space<hbm>>
      %dma_wait3A_44 = tpu.memref_squeeze %dma_wait3A_43 : memref<1x80x128xi32, #tpu.memory_space<hbm>> -> memref<80x128xi32, #tpu.memory_space<hbm>>
      %dma_wait3A_45 = arith.constant 0 : i32
      %dma_wait3A_46 = arith.constant 0 : i32
      %dma_wait3A_47 = tpu.memref_slice %dma_wait3A_44[%dma_wait3A_45, %dma_wait3A_46] : memref<80x128xi32, #tpu.memory_space<hbm>> -> memref<40x128xi32, #tpu.memory_space<hbm>>
      %dma_wait3A_48 = arith.constant 0 : i32
      %dma_wait3A_49 = arith.constant 0 : i32
      %dma_wait3A_50 = tpu.memref_slice %arg4[%add3A, %dma_wait3A_48, %dma_wait3A_49] : memref<32x80x128xi32, #tpu.memory_space<hbm>> -> memref<1x80x128xi32, #tpu.memory_space<hbm>>
      %dma_wait3A_51 = tpu.memref_squeeze %dma_wait3A_50 : memref<1x80x128xi32, #tpu.memory_space<hbm>> -> memref<80x128xi32, #tpu.memory_space<hbm>>
      %dma_wait3A_52 = arith.constant 0 : i32
      %dma_wait3A_53 = arith.constant 0 : i32
      %dma_wait3A_54 = tpu.memref_slice %dma_wait3A_51[%dma_wait3A_52, %dma_wait3A_53] : memref<80x128xi32, #tpu.memory_space<hbm>> -> memref<40x128xi32, #tpu.memory_space<hbm>>
      tpu.wait_dma2 semaphore(%run_scoped3A : memref<!tpu.dma_semaphore, #tpu.memory_space<semaphore_mem>>) src(%dma_wait3A_54 : memref<40x128xi32, #tpu.memory_space<hbm>>) dst(%arg8 : memref<40x128xi32, #tpu.memory_space<vmem>>)
      tpu.yield
    }) : () -> ()
    %dma_start3A = arith.constant 0 : i32
    %dma_start3A_3 = arith.constant 0 : i32
    %dma_start3A_4 = tpu.memref_slice %arg7[%dma_start3A, %dma_start3A_3] : memref<40x128xi32, #tpu.memory_space<vmem>> -> memref<1x128xi32, #tpu.memory_space<vmem>>
    %dma_start3A_5 = tpu.memref_squeeze %dma_start3A_4 : memref<1x128xi32, #tpu.memory_space<vmem>> -> memref<128xi32, #tpu.memory_space<vmem>>
    %dma_start3A_6 = arith.constant 0 : i32
    %dma_start3A_7 = arith.constant 0 : i32
    %dma_start3A_8 = tpu.memref_slice %arg2[%dma_start3A_6, %dma_start3A_7] : memref<40000x128xf32, #tpu.memory_space<hbm>> -> memref<40000x128xf32, #tpu.memory_space<hbm>>
    tpu.enqueue_indirect_dma source(%dma_start3A_8 : memref<40000x128xf32, #tpu.memory_space<hbm>>) target(%arg9 : memref<128x128xf32, #tpu.memory_space<vmem>>) offsets(%dma_start3A_5 : memref<128xi32, #tpu.memory_space<vmem>>) semaphore(%arg12 : memref<!tpu.dma_semaphore, #tpu.memory_space<semaphore_mem>>)
    %scan3A = arith.constant 0 : i32
    %scan3A_9 = arith.constant 0 : i32
    %scan3A_10 = arith.constant 20 : i32
    %scan3A_11 = arith.addi %scan3A_9, %scan3A_10 : i32
    %scan3A_12 = arith.constant 1 : i32
    scf.for %scan3A_28 = %scan3A_9 to %scan3A_11 step %scan3A_12  : i32 {
      %mul3A_29 = arith.constant 2 : i32
      %mul3A_30 = arith.muli %mul3A_29, %scan3A_28 : i32
      %add3A_31 = arith.constant 1 : i32
      %add3A_32 = arith.addi %mul3A_30, %add3A_31 : i32
      %dma_start3A_33 = arith.constant 0 : i32
      %dma_start3A_34 = tpu.memref_slice %arg7[%add3A_32, %dma_start3A_33] : memref<40x128xi32, #tpu.memory_space<vmem>> -> memref<1x128xi32, #tpu.memory_space<vmem>>
      %dma_start3A_35 = tpu.memref_squeeze %dma_start3A_34 : memref<1x128xi32, #tpu.memory_space<vmem>> -> memref<128xi32, #tpu.memory_space<vmem>>
      %dma_start3A_36 = arith.constant 0 : i32
      %dma_start3A_37 = arith.constant 0 : i32
      %dma_start3A_38 = tpu.memref_slice %arg2[%dma_start3A_36, %dma_start3A_37] : memref<40000x128xf32, #tpu.memory_space<hbm>> -> memref<40000x128xf32, #tpu.memory_space<hbm>>
      tpu.enqueue_indirect_dma source(%dma_start3A_38 : memref<40000x128xf32, #tpu.memory_space<hbm>>) target(%arg10 : memref<128x128xf32, #tpu.memory_space<vmem>>) offsets(%dma_start3A_35 : memref<128xi32, #tpu.memory_space<vmem>>) semaphore(%arg13 : memref<!tpu.dma_semaphore, #tpu.memory_space<semaphore_mem>>)
      %dma_wait3A = arith.constant 0 : i32
      %dma_wait3A_39 = tpu.memref_slice %arg7[%mul3A_30, %dma_wait3A] : memref<40x128xi32, #tpu.memory_space<vmem>> -> memref<1x128xi32, #tpu.memory_space<vmem>>
      %dma_wait3A_40 = tpu.memref_squeeze %dma_wait3A_39 : memref<1x128xi32, #tpu.memory_space<vmem>> -> memref<128xi32, #tpu.memory_space<vmem>>
      %dma_wait3A_41 = arith.constant 0 : i32
      %dma_wait3A_42 = arith.constant 0 : i32
      %dma_wait3A_43 = tpu.memref_slice %arg2[%dma_wait3A_41, %dma_wait3A_42] : memref<40000x128xf32, #tpu.memory_space<hbm>> -> memref<40000x128xf32, #tpu.memory_space<hbm>>
      tpu.wait_indirect_dma semaphore(%arg12 : memref<!tpu.dma_semaphore, #tpu.memory_space<semaphore_mem>>) src(%dma_wait3A_43 : memref<40000x128xf32, #tpu.memory_space<hbm>>) dst(%arg9 : memref<128x128xf32, #tpu.memory_space<vmem>>)
      "tpu.region"() ({
        %run_scoped3A = tpu.sem_alloc : memref<!tpu.dma_semaphore, #tpu.memory_space<semaphore_mem>>
        %dma_start3A_58 = arith.constant 0 : i32
        %dma_start3A_59 = tpu.memref_slice %arg8[%mul3A_30, %dma_start3A_58] : memref<40x128xi32, #tpu.memory_space<vmem>> -> memref<1x128xi32, #tpu.memory_space<vmem>>
        %dma_start3A_60 = tpu.memref_squeeze %dma_start3A_59 : memref<1x128xi32, #tpu.memory_space<vmem>> -> memref<128xi32, #tpu.memory_space<vmem>>
        %dma_start3A_61 = arith.constant 0 : i32
        %dma_start3A_62 = arith.constant 0 : i32
        %dma_start3A_63 = tpu.memref_slice %arg11[%dma_start3A_61, %dma_start3A_62] : memref<10112x128xf32, #tpu.memory_space<vmem_shared>> -> memref<10112x128xf32, #tpu.memory_space<vmem_shared>>
        tpu.enqueue_indirect_dma source(%arg9 : memref<128x128xf32, #tpu.memory_space<vmem>>) target(%dma_start3A_63 : memref<10112x128xf32, #tpu.memory_space<vmem_shared>>) offsets(%dma_start3A_60 : memref<128xi32, #tpu.memory_space<vmem>>) semaphore(%run_scoped3A : memref<!tpu.dma_semaphore, #tpu.memory_space<semaphore_mem>>) {add = true}
        %dma_wait3A_64 = arith.constant 0 : i32
        %dma_wait3A_65 = tpu.memref_slice %arg8[%mul3A_30, %dma_wait3A_64] : memref<40x128xi32, #tpu.memory_space<vmem>> -> memref<1x128xi32, #tpu.memory_space<vmem>>
        %dma_wait3A_66 = tpu.memref_squeeze %dma_wait3A_65 : memref<1x128xi32, #tpu.memory_space<vmem>> -> memref<128xi32, #tpu.memory_space<vmem>>
        %dma_wait3A_67 = arith.constant 0 : i32
        %dma_wait3A_68 = arith.constant 0 : i32
        %dma_wait3A_69 = tpu.memref_slice %arg11[%dma_wait3A_67, %dma_wait3A_68] : memref<10112x128xf32, #tpu.memory_space<vmem_shared>> -> memref<10112x128xf32, #tpu.memory_space<vmem_shared>>
        tpu.wait_indirect_dma semaphore(%run_scoped3A : memref<!tpu.dma_semaphore, #tpu.memory_space<semaphore_mem>>) src(%arg9 : memref<128x128xf32, #tpu.memory_space<vmem>>) dst(%dma_wait3A_69 : memref<10112x128xf32, #tpu.memory_space<vmem_shared>>)
        tpu.yield
      }) : () -> ()
      %add3A_44 = arith.constant 2 : i32
      %add3A_45 = arith.addi %mul3A_30, %add3A_44 : i32
      %lt3A = arith.constant 40 : i32
      %lt3A_46 = arith.cmpi slt, %add3A_45, %lt3A : i32
      %convert_element_type3A = arith.extui %lt3A_46 : i1 to i32
      %cond3A = arith.constant 0 : i32
      %cond3A_47 = arith.cmpi ne, %convert_element_type3A, %cond3A : i32
      scf.if %cond3A_47 {
        %add3A_58 = arith.constant 2 : i32
        %add3A_59 = arith.addi %mul3A_30, %add3A_58 : i32
        %dma_start3A_60 = arith.constant 0 : i32
        %dma_start3A_61 = tpu.memref_slice %arg7[%add3A_59, %dma_start3A_60] : memref<40x128xi32, #tpu.memory_space<vmem>> -> memref<1x128xi32, #tpu.memory_space<vmem>>
        %dma_start3A_62 = tpu.memref_squeeze %dma_start3A_61 : memref<1x128xi32, #tpu.memory_space<vmem>> -> memref<128xi32, #tpu.memory_space<vmem>>
        %dma_start3A_63 = arith.constant 0 : i32
        %dma_start3A_64 = arith.constant 0 : i32
        %dma_start3A_65 = tpu.memref_slice %arg2[%dma_start3A_63, %dma_start3A_64] : memref<40000x128xf32, #tpu.memory_space<hbm>> -> memref<40000x128xf32, #tpu.memory_space<hbm>>
        tpu.enqueue_indirect_dma source(%dma_start3A_65 : memref<40000x128xf32, #tpu.memory_space<hbm>>) target(%arg9 : memref<128x128xf32, #tpu.memory_space<vmem>>) offsets(%dma_start3A_62 : memref<128xi32, #tpu.memory_space<vmem>>) semaphore(%arg12 : memref<!tpu.dma_semaphore, #tpu.memory_space<semaphore_mem>>)
      } else {
      }
      %add3A_48 = arith.constant 1 : i32
      %add3A_49 = arith.addi %mul3A_30, %add3A_48 : i32
      %dma_wait3A_50 = arith.constant 0 : i32
      %dma_wait3A_51 = tpu.memref_slice %arg7[%add3A_49, %dma_wait3A_50] : memref<40x128xi32, #tpu.memory_space<vmem>> -> memref<1x128xi32, #tpu.memory_space<vmem>>
      %dma_wait3A_52 = tpu.memref_squeeze %dma_wait3A_51 : memref<1x128xi32, #tpu.memory_space<vmem>> -> memref<128xi32, #tpu.memory_space<vmem>>
      %dma_wait3A_53 = arith.constant 0 : i32
      %dma_wait3A_54 = arith.constant 0 : i32
      %dma_wait3A_55 = tpu.memref_slice %arg2[%dma_wait3A_53, %dma_wait3A_54] : memref<40000x128xf32, #tpu.memory_space<hbm>> -> memref<40000x128xf32, #tpu.memory_space<hbm>>
      tpu.wait_indirect_dma semaphore(%arg13 : memref<!tpu.dma_semaphore, #tpu.memory_space<semaphore_mem>>) src(%dma_wait3A_55 : memref<40000x128xf32, #tpu.memory_space<hbm>>) dst(%arg10 : memref<128x128xf32, #tpu.memory_space<vmem>>)
      %add3A_56 = arith.constant 1 : i32
      %add3A_57 = arith.addi %mul3A_30, %add3A_56 : i32
      "tpu.region"() ({
        %run_scoped3A = tpu.sem_alloc : memref<!tpu.dma_semaphore, #tpu.memory_space<semaphore_mem>>
        %dma_start3A_58 = arith.constant 0 : i32
        %dma_start3A_59 = tpu.memref_slice %arg8[%add3A_57, %dma_start3A_58] : memref<40x128xi32, #tpu.memory_space<vmem>> -> memref<1x128xi32, #tpu.memory_space<vmem>>
        %dma_start3A_60 = tpu.memref_squeeze %dma_start3A_59 : memref<1x128xi32, #tpu.memory_space<vmem>> -> memref<128xi32, #tpu.memory_space<vmem>>
        %dma_start3A_61 = arith.constant 0 : i32
        %dma_start3A_62 = arith.constant 0 : i32
        %dma_start3A_63 = tpu.memref_slice %arg11[%dma_start3A_61, %dma_start3A_62] : memref<10112x128xf32, #tpu.memory_space<vmem_shared>> -> memref<10112x128xf32, #tpu.memory_space<vmem_shared>>
        tpu.enqueue_indirect_dma source(%arg10 : memref<128x128xf32, #tpu.memory_space<vmem>>) target(%dma_start3A_63 : memref<10112x128xf32, #tpu.memory_space<vmem_shared>>) offsets(%dma_start3A_60 : memref<128xi32, #tpu.memory_space<vmem>>) semaphore(%run_scoped3A : memref<!tpu.dma_semaphore, #tpu.memory_space<semaphore_mem>>) {add = true}
        %dma_wait3A_64 = arith.constant 0 : i32
        %dma_wait3A_65 = tpu.memref_slice %arg8[%add3A_57, %dma_wait3A_64] : memref<40x128xi32, #tpu.memory_space<vmem>> -> memref<1x128xi32, #tpu.memory_space<vmem>>
        %dma_wait3A_66 = tpu.memref_squeeze %dma_wait3A_65 : memref<1x128xi32, #tpu.memory_space<vmem>> -> memref<128xi32, #tpu.memory_space<vmem>>
        %dma_wait3A_67 = arith.constant 0 : i32
        %dma_wait3A_68 = arith.constant 0 : i32
        %dma_wait3A_69 = tpu.memref_slice %arg11[%dma_wait3A_67, %dma_wait3A_68] : memref<10112x128xf32, #tpu.memory_space<vmem_shared>> -> memref<10112x128xf32, #tpu.memory_space<vmem_shared>>
        tpu.wait_indirect_dma semaphore(%run_scoped3A : memref<!tpu.dma_semaphore, #tpu.memory_space<semaphore_mem>>) src(%arg10 : memref<128x128xf32, #tpu.memory_space<vmem>>) dst(%dma_wait3A_69 : memref<10112x128xf32, #tpu.memory_space<vmem_shared>>)
        tpu.yield
      }) : () -> ()
    }
    %scan3A_13 = arith.constant 20 : i32
    "tpu.region"() ({
      %run_scoped3A = tpu.sem_alloc : memref<!tpu.dma_semaphore, #tpu.memory_space<semaphore_mem>>
      %dma_start3A_28 = arith.constant 0 : i32
      %dma_start3A_29 = arith.constant 0 : i32
      %dma_start3A_30 = tpu.memref_slice %arg3[%add3A, %dma_start3A_28, %dma_start3A_29] : memref<32x80x128xi32, #tpu.memory_space<hbm>> -> memref<1x80x128xi32, #tpu.memory_space<hbm>>
      %dma_start3A_31 = tpu.memref_squeeze %dma_start3A_30 : memref<1x80x128xi32, #tpu.memory_space<hbm>> -> memref<80x128xi32, #tpu.memory_space<hbm>>
      %dma_start3A_32 = arith.constant 40 : i32
      %dma_start3A_33 = arith.constant 0 : i32
      %dma_start3A_34 = tpu.memref_slice %dma_start3A_31[%dma_start3A_32, %dma_start3A_33] : memref<80x128xi32, #tpu.memory_space<hbm>> -> memref<40x128xi32, #tpu.memory_space<hbm>>
      %dma_start3A_35 = arith.constant 0 : i32
      %dma_start3A_36 = arith.constant 0 : i32
      %dma_start3A_37 = tpu.memref_slice %arg3[%add3A, %dma_start3A_35, %dma_start3A_36] : memref<32x80x128xi32, #tpu.memory_space<hbm>> -> memref<1x80x128xi32, #tpu.memory_space<hbm>>
      %dma_start3A_38 = tpu.memref_squeeze %dma_start3A_37 : memref<1x80x128xi32, #tpu.memory_space<hbm>> -> memref<80x128xi32, #tpu.memory_space<hbm>>
      %dma_start3A_39 = arith.constant 40 : i32
      %dma_start3A_40 = arith.constant 0 : i32
      %dma_start3A_41 = tpu.memref_slice %dma_start3A_38[%dma_start3A_39, %dma_start3A_40] : memref<80x128xi32, #tpu.memory_space<hbm>> -> memref<40x128xi32, #tpu.memory_space<hbm>>
      tpu.enqueue_dma source(%dma_start3A_41 : memref<40x128xi32, #tpu.memory_space<hbm>>) target(%arg7 : memref<40x128xi32, #tpu.memory_space<vmem>>) target_semaphore(%run_scoped3A : memref<!tpu.dma_semaphore, #tpu.memory_space<semaphore_mem>>)
      %dma_wait3A = arith.constant 0 : i32
      %dma_wait3A_42 = arith.constant 0 : i32
      %dma_wait3A_43 = tpu.memref_slice %arg3[%add3A, %dma_wait3A, %dma_wait3A_42] : memref<32x80x128xi32, #tpu.memory_space<hbm>> -> memref<1x80x128xi32, #tpu.memory_space<hbm>>
      %dma_wait3A_44 = tpu.memref_squeeze %dma_wait3A_43 : memref<1x80x128xi32, #tpu.memory_space<hbm>> -> memref<80x128xi32, #tpu.memory_space<hbm>>
      %dma_wait3A_45 = arith.constant 40 : i32
      %dma_wait3A_46 = arith.constant 0 : i32
      %dma_wait3A_47 = tpu.memref_slice %dma_wait3A_44[%dma_wait3A_45, %dma_wait3A_46] : memref<80x128xi32, #tpu.memory_space<hbm>> -> memref<40x128xi32, #tpu.memory_space<hbm>>
      %dma_wait3A_48 = arith.constant 0 : i32
      %dma_wait3A_49 = arith.constant 0 : i32
      %dma_wait3A_50 = tpu.memref_slice %arg3[%add3A, %dma_wait3A_48, %dma_wait3A_49] : memref<32x80x128xi32, #tpu.memory_space<hbm>> -> memref<1x80x128xi32, #tpu.memory_space<hbm>>
      %dma_wait3A_51 = tpu.memref_squeeze %dma_wait3A_50 : memref<1x80x128xi32, #tpu.memory_space<hbm>> -> memref<80x128xi32, #tpu.memory_space<hbm>>
      %dma_wait3A_52 = arith.constant 40 : i32
      %dma_wait3A_53 = arith.constant 0 : i32
      %dma_wait3A_54 = tpu.memref_slice %dma_wait3A_51[%dma_wait3A_52, %dma_wait3A_53] : memref<80x128xi32, #tpu.memory_space<hbm>> -> memref<40x128xi32, #tpu.memory_space<hbm>>
      tpu.wait_dma2 semaphore(%run_scoped3A : memref<!tpu.dma_semaphore, #tpu.memory_space<semaphore_mem>>) src(%dma_wait3A_54 : memref<40x128xi32, #tpu.memory_space<hbm>>) dst(%arg7 : memref<40x128xi32, #tpu.memory_space<vmem>>)
      tpu.yield
    }) : () -> ()
    "tpu.region"() ({
      %run_scoped3A = tpu.sem_alloc : memref<!tpu.dma_semaphore, #tpu.memory_space<semaphore_mem>>
      %dma_start3A_28 = arith.constant 0 : i32
      %dma_start3A_29 = arith.constant 0 : i32
      %dma_start3A_30 = tpu.memref_slice %arg4[%add3A, %dma_start3A_28, %dma_start3A_29] : memref<32x80x128xi32, #tpu.memory_space<hbm>> -> memref<1x80x128xi32, #tpu.memory_space<hbm>>
      %dma_start3A_31 = tpu.memref_squeeze %dma_start3A_30 : memref<1x80x128xi32, #tpu.memory_space<hbm>> -> memref<80x128xi32, #tpu.memory_space<hbm>>
      %dma_start3A_32 = arith.constant 40 : i32
      %dma_start3A_33 = arith.constant 0 : i32
      %dma_start3A_34 = tpu.memref_slice %dma_start3A_31[%dma_start3A_32, %dma_start3A_33] : memref<80x128xi32, #tpu.memory_space<hbm>> -> memref<40x128xi32, #tpu.memory_space<hbm>>
      %dma_start3A_35 = arith.constant 0 : i32
      %dma_start3A_36 = arith.constant 0 : i32
      %dma_start3A_37 = tpu.memref_slice %arg4[%add3A, %dma_start3A_35, %dma_start3A_36] : memref<32x80x128xi32, #tpu.memory_space<hbm>> -> memref<1x80x128xi32, #tpu.memory_space<hbm>>
      %dma_start3A_38 = tpu.memref_squeeze %dma_start3A_37 : memref<1x80x128xi32, #tpu.memory_space<hbm>> -> memref<80x128xi32, #tpu.memory_space<hbm>>
      %dma_start3A_39 = arith.constant 40 : i32
      %dma_start3A_40 = arith.constant 0 : i32
      %dma_start3A_41 = tpu.memref_slice %dma_start3A_38[%dma_start3A_39, %dma_start3A_40] : memref<80x128xi32, #tpu.memory_space<hbm>> -> memref<40x128xi32, #tpu.memory_space<hbm>>
      tpu.enqueue_dma source(%dma_start3A_41 : memref<40x128xi32, #tpu.memory_space<hbm>>) target(%arg8 : memref<40x128xi32, #tpu.memory_space<vmem>>) target_semaphore(%run_scoped3A : memref<!tpu.dma_semaphore, #tpu.memory_space<semaphore_mem>>)
      %dma_wait3A = arith.constant 0 : i32
      %dma_wait3A_42 = arith.constant 0 : i32
      %dma_wait3A_43 = tpu.memref_slice %arg4[%add3A, %dma_wait3A, %dma_wait3A_42] : memref<32x80x128xi32, #tpu.memory_space<hbm>> -> memref<1x80x128xi32, #tpu.memory_space<hbm>>
      %dma_wait3A_44 = tpu.memref_squeeze %dma_wait3A_43 : memref<1x80x128xi32, #tpu.memory_space<hbm>> -> memref<80x128xi32, #tpu.memory_space<hbm>>
      %dma_wait3A_45 = arith.constant 40 : i32
      %dma_wait3A_46 = arith.constant 0 : i32
      %dma_wait3A_47 = tpu.memref_slice %dma_wait3A_44[%dma_wait3A_45, %dma_wait3A_46] : memref<80x128xi32, #tpu.memory_space<hbm>> -> memref<40x128xi32, #tpu.memory_space<hbm>>
      %dma_wait3A_48 = arith.constant 0 : i32
      %dma_wait3A_49 = arith.constant 0 : i32
      %dma_wait3A_50 = tpu.memref_slice %arg4[%add3A, %dma_wait3A_48, %dma_wait3A_49] : memref<32x80x128xi32, #tpu.memory_space<hbm>> -> memref<1x80x128xi32, #tpu.memory_space<hbm>>
      %dma_wait3A_51 = tpu.memref_squeeze %dma_wait3A_50 : memref<1x80x128xi32, #tpu.memory_space<hbm>> -> memref<80x128xi32, #tpu.memory_space<hbm>>
      %dma_wait3A_52 = arith.constant 40 : i32
      %dma_wait3A_53 = arith.constant 0 : i32
      %dma_wait3A_54 = tpu.memref_slice %dma_wait3A_51[%dma_wait3A_52, %dma_wait3A_53] : memref<80x128xi32, #tpu.memory_space<hbm>> -> memref<40x128xi32, #tpu.memory_space<hbm>>
      tpu.wait_dma2 semaphore(%run_scoped3A : memref<!tpu.dma_semaphore, #tpu.memory_space<semaphore_mem>>) src(%dma_wait3A_54 : memref<40x128xi32, #tpu.memory_space<hbm>>) dst(%arg8 : memref<40x128xi32, #tpu.memory_space<vmem>>)
      tpu.yield
    }) : () -> ()
    %dma_start3A_14 = arith.constant 0 : i32
    %dma_start3A_15 = arith.constant 0 : i32
    %dma_start3A_16 = tpu.memref_slice %arg7[%dma_start3A_14, %dma_start3A_15] : memref<40x128xi32, #tpu.memory_space<vmem>> -> memref<1x128xi32, #tpu.memory_space<vmem>>
    %dma_start3A_17 = tpu.memref_squeeze %dma_start3A_16 : memref<1x128xi32, #tpu.memory_space<vmem>> -> memref<128xi32, #tpu.memory_space<vmem>>
    %dma_start3A_18 = arith.constant 0 : i32
    %dma_start3A_19 = arith.constant 0 : i32
    %dma_start3A_20 = tpu.memref_slice %arg2[%dma_start3A_18, %dma_start3A_19] : memref<40000x128xf32, #tpu.memory_space<hbm>> -> memref<40000x128xf32, #tpu.memory_space<hbm>>
    tpu.enqueue_indirect_dma source(%dma_start3A_20 : memref<40000x128xf32, #tpu.memory_space<hbm>>) target(%arg9 : memref<128x128xf32, #tpu.memory_space<vmem>>) offsets(%dma_start3A_17 : memref<128xi32, #tpu.memory_space<vmem>>) semaphore(%arg12 : memref<!tpu.dma_semaphore, #tpu.memory_space<semaphore_mem>>)
    %scan3A_21 = arith.constant 0 : i32
    %scan3A_22 = arith.constant 0 : i32
    %scan3A_23 = arith.constant 20 : i32
    %scan3A_24 = arith.addi %scan3A_22, %scan3A_23 : i32
    %scan3A_25 = arith.constant 1 : i32
    scf.for %scan3A_28 = %scan3A_22 to %scan3A_24 step %scan3A_25  : i32 {
      %mul3A_29 = arith.constant 2 : i32
      %mul3A_30 = arith.muli %mul3A_29, %scan3A_28 : i32
      %add3A_31 = arith.constant 1 : i32
      %add3A_32 = arith.addi %mul3A_30, %add3A_31 : i32
      %dma_start3A_33 = arith.constant 0 : i32
      %dma_start3A_34 = tpu.memref_slice %arg7[%add3A_32, %dma_start3A_33] : memref<40x128xi32, #tpu.memory_space<vmem>> -> memref<1x128xi32, #tpu.memory_space<vmem>>
      %dma_start3A_35 = tpu.memref_squeeze %dma_start3A_34 : memref<1x128xi32, #tpu.memory_space<vmem>> -> memref<128xi32, #tpu.memory_space<vmem>>
      %dma_start3A_36 = arith.constant 0 : i32
      %dma_start3A_37 = arith.constant 0 : i32
      %dma_start3A_38 = tpu.memref_slice %arg2[%dma_start3A_36, %dma_start3A_37] : memref<40000x128xf32, #tpu.memory_space<hbm>> -> memref<40000x128xf32, #tpu.memory_space<hbm>>
      tpu.enqueue_indirect_dma source(%dma_start3A_38 : memref<40000x128xf32, #tpu.memory_space<hbm>>) target(%arg10 : memref<128x128xf32, #tpu.memory_space<vmem>>) offsets(%dma_start3A_35 : memref<128xi32, #tpu.memory_space<vmem>>) semaphore(%arg13 : memref<!tpu.dma_semaphore, #tpu.memory_space<semaphore_mem>>)
      %dma_wait3A = arith.constant 0 : i32
      %dma_wait3A_39 = tpu.memref_slice %arg7[%mul3A_30, %dma_wait3A] : memref<40x128xi32, #tpu.memory_space<vmem>> -> memref<1x128xi32, #tpu.memory_space<vmem>>
      %dma_wait3A_40 = tpu.memref_squeeze %dma_wait3A_39 : memref<1x128xi32, #tpu.memory_space<vmem>> -> memref<128xi32, #tpu.memory_space<vmem>>
      %dma_wait3A_41 = arith.constant 0 : i32
      %dma_wait3A_42 = arith.constant 0 : i32
      %dma_wait3A_43 = tpu.memref_slice %arg2[%dma_wait3A_41, %dma_wait3A_42] : memref<40000x128xf32, #tpu.memory_space<hbm>> -> memref<40000x128xf32, #tpu.memory_space<hbm>>
      tpu.wait_indirect_dma semaphore(%arg12 : memref<!tpu.dma_semaphore, #tpu.memory_space<semaphore_mem>>) src(%dma_wait3A_43 : memref<40000x128xf32, #tpu.memory_space<hbm>>) dst(%arg9 : memref<128x128xf32, #tpu.memory_space<vmem>>)
      "tpu.region"() ({
        %run_scoped3A = tpu.sem_alloc : memref<!tpu.dma_semaphore, #tpu.memory_space<semaphore_mem>>
        %dma_start3A_58 = arith.constant 0 : i32
        %dma_start3A_59 = tpu.memref_slice %arg8[%mul3A_30, %dma_start3A_58] : memref<40x128xi32, #tpu.memory_space<vmem>> -> memref<1x128xi32, #tpu.memory_space<vmem>>
        %dma_start3A_60 = tpu.memref_squeeze %dma_start3A_59 : memref<1x128xi32, #tpu.memory_space<vmem>> -> memref<128xi32, #tpu.memory_space<vmem>>
        %dma_start3A_61 = arith.constant 0 : i32
        %dma_start3A_62 = arith.constant 0 : i32
        %dma_start3A_63 = tpu.memref_slice %arg11[%dma_start3A_61, %dma_start3A_62] : memref<10112x128xf32, #tpu.memory_space<vmem_shared>> -> memref<10112x128xf32, #tpu.memory_space<vmem_shared>>
        tpu.enqueue_indirect_dma source(%arg9 : memref<128x128xf32, #tpu.memory_space<vmem>>) target(%dma_start3A_63 : memref<10112x128xf32, #tpu.memory_space<vmem_shared>>) offsets(%dma_start3A_60 : memref<128xi32, #tpu.memory_space<vmem>>) semaphore(%run_scoped3A : memref<!tpu.dma_semaphore, #tpu.memory_space<semaphore_mem>>) {add = true}
        %dma_wait3A_64 = arith.constant 0 : i32
        %dma_wait3A_65 = tpu.memref_slice %arg8[%mul3A_30, %dma_wait3A_64] : memref<40x128xi32, #tpu.memory_space<vmem>> -> memref<1x128xi32, #tpu.memory_space<vmem>>
        %dma_wait3A_66 = tpu.memref_squeeze %dma_wait3A_65 : memref<1x128xi32, #tpu.memory_space<vmem>> -> memref<128xi32, #tpu.memory_space<vmem>>
        %dma_wait3A_67 = arith.constant 0 : i32
        %dma_wait3A_68 = arith.constant 0 : i32
        %dma_wait3A_69 = tpu.memref_slice %arg11[%dma_wait3A_67, %dma_wait3A_68] : memref<10112x128xf32, #tpu.memory_space<vmem_shared>> -> memref<10112x128xf32, #tpu.memory_space<vmem_shared>>
        tpu.wait_indirect_dma semaphore(%run_scoped3A : memref<!tpu.dma_semaphore, #tpu.memory_space<semaphore_mem>>) src(%arg9 : memref<128x128xf32, #tpu.memory_space<vmem>>) dst(%dma_wait3A_69 : memref<10112x128xf32, #tpu.memory_space<vmem_shared>>)
        tpu.yield
      }) : () -> ()
      %add3A_44 = arith.constant 2 : i32
      %add3A_45 = arith.addi %mul3A_30, %add3A_44 : i32
      %lt3A = arith.constant 40 : i32
      %lt3A_46 = arith.cmpi slt, %add3A_45, %lt3A : i32
      %convert_element_type3A = arith.extui %lt3A_46 : i1 to i32
      %cond3A = arith.constant 0 : i32
      %cond3A_47 = arith.cmpi ne, %convert_element_type3A, %cond3A : i32
      scf.if %cond3A_47 {
        %add3A_58 = arith.constant 2 : i32
        %add3A_59 = arith.addi %mul3A_30, %add3A_58 : i32
        %dma_start3A_60 = arith.constant 0 : i32
        %dma_start3A_61 = tpu.memref_slice %arg7[%add3A_59, %dma_start3A_60] : memref<40x128xi32, #tpu.memory_space<vmem>> -> memref<1x128xi32, #tpu.memory_space<vmem>>
        %dma_start3A_62 = tpu.memref_squeeze %dma_start3A_61 : memref<1x128xi32, #tpu.memory_space<vmem>> -> memref<128xi32, #tpu.memory_space<vmem>>
        %dma_start3A_63 = arith.constant 0 : i32
        %dma_start3A_64 = arith.constant 0 : i32
        %dma_start3A_65 = tpu.memref_slice %arg2[%dma_start3A_63, %dma_start3A_64] : memref<40000x128xf32, #tpu.memory_space<hbm>> -> memref<40000x128xf32, #tpu.memory_space<hbm>>
        tpu.enqueue_indirect_dma source(%dma_start3A_65 : memref<40000x128xf32, #tpu.memory_space<hbm>>) target(%arg9 : memref<128x128xf32, #tpu.memory_space<vmem>>) offsets(%dma_start3A_62 : memref<128xi32, #tpu.memory_space<vmem>>) semaphore(%arg12 : memref<!tpu.dma_semaphore, #tpu.memory_space<semaphore_mem>>)
      } else {
      }
      %add3A_48 = arith.constant 1 : i32
      %add3A_49 = arith.addi %mul3A_30, %add3A_48 : i32
      %dma_wait3A_50 = arith.constant 0 : i32
      %dma_wait3A_51 = tpu.memref_slice %arg7[%add3A_49, %dma_wait3A_50] : memref<40x128xi32, #tpu.memory_space<vmem>> -> memref<1x128xi32, #tpu.memory_space<vmem>>
      %dma_wait3A_52 = tpu.memref_squeeze %dma_wait3A_51 : memref<1x128xi32, #tpu.memory_space<vmem>> -> memref<128xi32, #tpu.memory_space<vmem>>
      %dma_wait3A_53 = arith.constant 0 : i32
      %dma_wait3A_54 = arith.constant 0 : i32
      %dma_wait3A_55 = tpu.memref_slice %arg2[%dma_wait3A_53, %dma_wait3A_54] : memref<40000x128xf32, #tpu.memory_space<hbm>> -> memref<40000x128xf32, #tpu.memory_space<hbm>>
      tpu.wait_indirect_dma semaphore(%arg13 : memref<!tpu.dma_semaphore, #tpu.memory_space<semaphore_mem>>) src(%dma_wait3A_55 : memref<40000x128xf32, #tpu.memory_space<hbm>>) dst(%arg10 : memref<128x128xf32, #tpu.memory_space<vmem>>)
      %add3A_56 = arith.constant 1 : i32
      %add3A_57 = arith.addi %mul3A_30, %add3A_56 : i32
      "tpu.region"() ({
        %run_scoped3A = tpu.sem_alloc : memref<!tpu.dma_semaphore, #tpu.memory_space<semaphore_mem>>
        %dma_start3A_58 = arith.constant 0 : i32
        %dma_start3A_59 = tpu.memref_slice %arg8[%add3A_57, %dma_start3A_58] : memref<40x128xi32, #tpu.memory_space<vmem>> -> memref<1x128xi32, #tpu.memory_space<vmem>>
        %dma_start3A_60 = tpu.memref_squeeze %dma_start3A_59 : memref<1x128xi32, #tpu.memory_space<vmem>> -> memref<128xi32, #tpu.memory_space<vmem>>
        %dma_start3A_61 = arith.constant 0 : i32
        %dma_start3A_62 = arith.constant 0 : i32
        %dma_start3A_63 = tpu.memref_slice %arg11[%dma_start3A_61, %dma_start3A_62] : memref<10112x128xf32, #tpu.memory_space<vmem_shared>> -> memref<10112x128xf32, #tpu.memory_space<vmem_shared>>
        tpu.enqueue_indirect_dma source(%arg10 : memref<128x128xf32, #tpu.memory_space<vmem>>) target(%dma_start3A_63 : memref<10112x128xf32, #tpu.memory_space<vmem_shared>>) offsets(%dma_start3A_60 : memref<128xi32, #tpu.memory_space<vmem>>) semaphore(%run_scoped3A : memref<!tpu.dma_semaphore, #tpu.memory_space<semaphore_mem>>) {add = true}
        %dma_wait3A_64 = arith.constant 0 : i32
        %dma_wait3A_65 = tpu.memref_slice %arg8[%add3A_57, %dma_wait3A_64] : memref<40x128xi32, #tpu.memory_space<vmem>> -> memref<1x128xi32, #tpu.memory_space<vmem>>
        %dma_wait3A_66 = tpu.memref_squeeze %dma_wait3A_65 : memref<1x128xi32, #tpu.memory_space<vmem>> -> memref<128xi32, #tpu.memory_space<vmem>>
        %dma_wait3A_67 = arith.constant 0 : i32
        %dma_wait3A_68 = arith.constant 0 : i32
        %dma_wait3A_69 = tpu.memref_slice %arg11[%dma_wait3A_67, %dma_wait3A_68] : memref<10112x128xf32, #tpu.memory_space<vmem_shared>> -> memref<10112x128xf32, #tpu.memory_space<vmem_shared>>
        tpu.wait_indirect_dma semaphore(%run_scoped3A : memref<!tpu.dma_semaphore, #tpu.memory_space<semaphore_mem>>) src(%arg10 : memref<128x128xf32, #tpu.memory_space<vmem>>) dst(%dma_wait3A_69 : memref<10112x128xf32, #tpu.memory_space<vmem_shared>>)
        tpu.yield
      }) : () -> ()
    }
    %scan3A_26 = arith.constant 20 : i32
    %barrier3A_27 = arith.constant 0 : index
    tpu.barrier barrier_id(%barrier3A_27)
    "tpu.region"() ({
      %run_scoped3A = tpu.sem_alloc : memref<!tpu.dma_semaphore, #tpu.memory_space<semaphore_mem>>
      %dma_start3A_28 = arith.constant 0 : i32
      %dma_start3A_29 = arith.constant 0 : i32
      %dma_start3A_30 = tpu.memref_slice %arg6[%arg0, %dma_start3A_28, %dma_start3A_29] : memref<2x10112x128xf32, #tpu.memory_space<hbm>> -> memref<1x10112x128xf32, #tpu.memory_space<hbm>>
      %dma_start3A_31 = tpu.memref_squeeze %dma_start3A_30 : memref<1x10112x128xf32, #tpu.memory_space<hbm>> -> memref<10112x128xf32, #tpu.memory_space<hbm>>
      %dma_start3A_32 = arith.constant 0 : i32
      %dma_start3A_33 = tpu.memref_slice %dma_start3A_31[%mul3A_2, %dma_start3A_32] : memref<10112x128xf32, #tpu.memory_space<hbm>> -> memref<632x128xf32, #tpu.memory_space<hbm>>
      %dma_start3A_34 = arith.constant 0 : i32
      %dma_start3A_35 = tpu.memref_slice %arg11[%mul3A_2, %dma_start3A_34] : memref<10112x128xf32, #tpu.memory_space<vmem_shared>> -> memref<632x128xf32, #tpu.memory_space<vmem_shared>>
      tpu.enqueue_dma source(%dma_start3A_35 : memref<632x128xf32, #tpu.memory_space<vmem_shared>>) target(%dma_start3A_33 : memref<632x128xf32, #tpu.memory_space<hbm>>) target_semaphore(%run_scoped3A : memref<!tpu.dma_semaphore, #tpu.memory_space<semaphore_mem>>)
      %dma_wait3A = arith.constant 0 : i32
      %dma_wait3A_36 = arith.constant 0 : i32
      %dma_wait3A_37 = tpu.memref_slice %arg6[%arg0, %dma_wait3A, %dma_wait3A_36] : memref<2x10112x128xf32, #tpu.memory_space<hbm>> -> memref<1x10112x128xf32, #tpu.memory_space<hbm>>
      %dma_wait3A_38 = tpu.memref_squeeze %dma_wait3A_37 : memref<1x10112x128xf32, #tpu.memory_space<hbm>> -> memref<10112x128xf32, #tpu.memory_space<hbm>>
      %dma_wait3A_39 = arith.constant 0 : i32
      %dma_wait3A_40 = tpu.memref_slice %dma_wait3A_38[%mul3A_2, %dma_wait3A_39] : memref<10112x128xf32, #tpu.memory_space<hbm>> -> memref<632x128xf32, #tpu.memory_space<hbm>>
      %dma_wait3A_41 = arith.constant 0 : i32
      %dma_wait3A_42 = tpu.memref_slice %arg11[%mul3A_2, %dma_wait3A_41] : memref<10112x128xf32, #tpu.memory_space<vmem_shared>> -> memref<632x128xf32, #tpu.memory_space<vmem_shared>>
      tpu.wait_dma2 semaphore(%run_scoped3A : memref<!tpu.dma_semaphore, #tpu.memory_space<semaphore_mem>>) src(%dma_wait3A_42 : memref<632x128xf32, #tpu.memory_space<vmem_shared>>) dst(%dma_wait3A_40 : memref<632x128xf32, #tpu.memory_space<hbm>>)
      tpu.yield
    }) : () -> ()
    return
  }
}

#map = affine_map<(d0, d1) -> (0, 0)>
#map1 = affine_map<(d0, d1) -> (0, 0, 0)>
module attributes {stable_mosaic.version = 14 : i64} {
  func.func @_sc_scatter_body(%arg0: i32, %arg1: i32, %arg2: memref<40000x128xf32, #tpu.memory_space<hbm>>, %arg3: memref<32x80x128xi32, #tpu.memory_space<hbm>>, %arg4: memref<32x80x128xi32, #tpu.memory_space<hbm>>, %arg5: memref<10112x128xf32, #tpu.memory_space<hbm>>, %arg6: memref<2x10112x128xf32, #tpu.memory_space<hbm>>, %arg7: memref<40x128xi32, #tpu.memory_space<vmem>>, %arg8: memref<40x128xi32, #tpu.memory_space<vmem>>, %arg9: memref<128x128xf32, #tpu.memory_space<vmem>>, %arg10: memref<128x128xf32, #tpu.memory_space<vmem>>, %arg11: memref<10112x128xf32, #tpu.memory_space<vmem_shared>>, %arg12: memref<!tpu.dma_semaphore, #tpu.memory_space<semaphore_mem>>, %arg13: memref<!tpu.dma_semaphore, #tpu.memory_space<semaphore_mem>>) attributes {dimension_semantics = [#tpu.dimension_semantics<core_parallel>, #tpu.dimension_semantics<subcore_parallel>], iteration_bounds = array<i64: 2, 16>, scalar_prefetch = 0 : i64, scratch_operands = 7 : i64, tpu.core_type = #tpu.core_type<sc_vector_subcore>, window_params = [{transform_indices = #map}, {transform_indices = #map1}, {transform_indices = #map1}, {transform_indices = #map}, {transform_indices = #map1}]} {
    %mul3A = arith.constant 2 : i32
    %mul3A_0 = arith.muli %arg1, %mul3A : i32
    %add3A = arith.addi %mul3A_0, %arg0 : i32
    %mul3A_1 = arith.constant 632 : i32
    %mul3A_2 = arith.muli %arg1, %mul3A_1 : i32
    "tpu.region"() ({
      %run_scoped3A = tpu.sem_alloc : memref<!tpu.dma_semaphore, #tpu.memory_space<semaphore_mem>>
      %dma_start3A_28 = arith.constant 0 : i32
      %dma_start3A_29 = tpu.memref_slice %arg11[%mul3A_2, %dma_start3A_28] : memref<10112x128xf32, #tpu.memory_space<vmem_shared>> -> memref<632x128xf32, #tpu.memory_space<vmem_shared>>
      %dma_start3A_30 = arith.constant 0 : i32
      %dma_start3A_31 = tpu.memref_slice %arg5[%mul3A_2, %dma_start3A_30] : memref<10112x128xf32, #tpu.memory_space<hbm>> -> memref<632x128xf32, #tpu.memory_space<hbm>>
      tpu.enqueue_dma source(%dma_start3A_31 : memref<632x128xf32, #tpu.memory_space<hbm>>) target(%dma_start3A_29 : memref<632x128xf32, #tpu.memory_space<vmem_shared>>) target_semaphore(%run_scoped3A : memref<!tpu.dma_semaphore, #tpu.memory_space<semaphore_mem>>)
      %dma_wait3A = arith.constant 0 : i32
      %dma_wait3A_32 = tpu.memref_slice %arg11[%mul3A_2, %dma_wait3A] : memref<10112x128xf32, #tpu.memory_space<vmem_shared>> -> memref<632x128xf32, #tpu.memory_space<vmem_shared>>
      %dma_wait3A_33 = arith.constant 0 : i32
      %dma_wait3A_34 = tpu.memref_slice %arg5[%mul3A_2, %dma_wait3A_33] : memref<10112x128xf32, #tpu.memory_space<hbm>> -> memref<632x128xf32, #tpu.memory_space<hbm>>
      tpu.wait_dma2 semaphore(%run_scoped3A : memref<!tpu.dma_semaphore, #tpu.memory_space<semaphore_mem>>) src(%dma_wait3A_34 : memref<632x128xf32, #tpu.memory_space<hbm>>) dst(%dma_wait3A_32 : memref<632x128xf32, #tpu.memory_space<vmem_shared>>)
      tpu.yield
    }) : () -> ()
    %barrier3A = arith.constant 0 : index
    tpu.barrier barrier_id(%barrier3A)
    "tpu.region"() ({
      %run_scoped3A = tpu.sem_alloc : memref<!tpu.dma_semaphore, #tpu.memory_space<semaphore_mem>>
      %dma_start3A_28 = arith.constant 0 : i32
      %dma_start3A_29 = arith.constant 0 : i32
      %dma_start3A_30 = tpu.memref_slice %arg3[%add3A, %dma_start3A_28, %dma_start3A_29] : memref<32x80x128xi32, #tpu.memory_space<hbm>> -> memref<1x80x128xi32, #tpu.memory_space<hbm>>
      %dma_start3A_31 = tpu.memref_squeeze %dma_start3A_30 : memref<1x80x128xi32, #tpu.memory_space<hbm>> -> memref<80x128xi32, #tpu.memory_space<hbm>>
      %dma_start3A_32 = arith.constant 0 : i32
      %dma_start3A_33 = arith.constant 0 : i32
      %dma_start3A_34 = tpu.memref_slice %dma_start3A_31[%dma_start3A_32, %dma_start3A_33] : memref<80x128xi32, #tpu.memory_space<hbm>> -> memref<40x128xi32, #tpu.memory_space<hbm>>
      %dma_start3A_35 = arith.constant 0 : i32
      %dma_start3A_36 = arith.constant 0 : i32
      %dma_start3A_37 = tpu.memref_slice %arg3[%add3A, %dma_start3A_35, %dma_start3A_36] : memref<32x80x128xi32, #tpu.memory_space<hbm>> -> memref<1x80x128xi32, #tpu.memory_space<hbm>>
      %dma_start3A_38 = tpu.memref_squeeze %dma_start3A_37 : memref<1x80x128xi32, #tpu.memory_space<hbm>> -> memref<80x128xi32, #tpu.memory_space<hbm>>
      %dma_start3A_39 = arith.constant 0 : i32
      %dma_start3A_40 = arith.constant 0 : i32
      %dma_start3A_41 = tpu.memref_slice %dma_start3A_38[%dma_start3A_39, %dma_start3A_40] : memref<80x128xi32, #tpu.memory_space<hbm>> -> memref<40x128xi32, #tpu.memory_space<hbm>>
      tpu.enqueue_dma source(%dma_start3A_41 : memref<40x128xi32, #tpu.memory_space<hbm>>) target(%arg7 : memref<40x128xi32, #tpu.memory_space<vmem>>) target_semaphore(%run_scoped3A : memref<!tpu.dma_semaphore, #tpu.memory_space<semaphore_mem>>)
      %dma_wait3A = arith.constant 0 : i32
      %dma_wait3A_42 = arith.constant 0 : i32
      %dma_wait3A_43 = tpu.memref_slice %arg3[%add3A, %dma_wait3A, %dma_wait3A_42] : memref<32x80x128xi32, #tpu.memory_space<hbm>> -> memref<1x80x128xi32, #tpu.memory_space<hbm>>
      %dma_wait3A_44 = tpu.memref_squeeze %dma_wait3A_43 : memref<1x80x128xi32, #tpu.memory_space<hbm>> -> memref<80x128xi32, #tpu.memory_space<hbm>>
      %dma_wait3A_45 = arith.constant 0 : i32
      %dma_wait3A_46 = arith.constant 0 : i32
      %dma_wait3A_47 = tpu.memref_slice %dma_wait3A_44[%dma_wait3A_45, %dma_wait3A_46] : memref<80x128xi32, #tpu.memory_space<hbm>> -> memref<40x128xi32, #tpu.memory_space<hbm>>
      %dma_wait3A_48 = arith.constant 0 : i32
      %dma_wait3A_49 = arith.constant 0 : i32
      %dma_wait3A_50 = tpu.memref_slice %arg3[%add3A, %dma_wait3A_48, %dma_wait3A_49] : memref<32x80x128xi32, #tpu.memory_space<hbm>> -> memref<1x80x128xi32, #tpu.memory_space<hbm>>
      %dma_wait3A_51 = tpu.memref_squeeze %dma_wait3A_50 : memref<1x80x128xi32, #tpu.memory_space<hbm>> -> memref<80x128xi32, #tpu.memory_space<hbm>>
      %dma_wait3A_52 = arith.constant 0 : i32
      %dma_wait3A_53 = arith.constant 0 : i32
      %dma_wait3A_54 = tpu.memref_slice %dma_wait3A_51[%dma_wait3A_52, %dma_wait3A_53] : memref<80x128xi32, #tpu.memory_space<hbm>> -> memref<40x128xi32, #tpu.memory_space<hbm>>
      tpu.wait_dma2 semaphore(%run_scoped3A : memref<!tpu.dma_semaphore, #tpu.memory_space<semaphore_mem>>) src(%dma_wait3A_54 : memref<40x128xi32, #tpu.memory_space<hbm>>) dst(%arg7 : memref<40x128xi32, #tpu.memory_space<vmem>>)
      tpu.yield
    }) : () -> ()
    "tpu.region"() ({
      %run_scoped3A = tpu.sem_alloc : memref<!tpu.dma_semaphore, #tpu.memory_space<semaphore_mem>>
      %dma_start3A_28 = arith.constant 0 : i32
      %dma_start3A_29 = arith.constant 0 : i32
      %dma_start3A_30 = tpu.memref_slice %arg4[%add3A, %dma_start3A_28, %dma_start3A_29] : memref<32x80x128xi32, #tpu.memory_space<hbm>> -> memref<1x80x128xi32, #tpu.memory_space<hbm>>
      %dma_start3A_31 = tpu.memref_squeeze %dma_start3A_30 : memref<1x80x128xi32, #tpu.memory_space<hbm>> -> memref<80x128xi32, #tpu.memory_space<hbm>>
      %dma_start3A_32 = arith.constant 0 : i32
      %dma_start3A_33 = arith.constant 0 : i32
      %dma_start3A_34 = tpu.memref_slice %dma_start3A_31[%dma_start3A_32, %dma_start3A_33] : memref<80x128xi32, #tpu.memory_space<hbm>> -> memref<40x128xi32, #tpu.memory_space<hbm>>
      %dma_start3A_35 = arith.constant 0 : i32
      %dma_start3A_36 = arith.constant 0 : i32
      %dma_start3A_37 = tpu.memref_slice %arg4[%add3A, %dma_start3A_35, %dma_start3A_36] : memref<32x80x128xi32, #tpu.memory_space<hbm>> -> memref<1x80x128xi32, #tpu.memory_space<hbm>>
      %dma_start3A_38 = tpu.memref_squeeze %dma_start3A_37 : memref<1x80x128xi32, #tpu.memory_space<hbm>> -> memref<80x128xi32, #tpu.memory_space<hbm>>
      %dma_start3A_39 = arith.constant 0 : i32
      %dma_start3A_40 = arith.constant 0 : i32
      %dma_start3A_41 = tpu.memref_slice %dma_start3A_38[%dma_start3A_39, %dma_start3A_40] : memref<80x128xi32, #tpu.memory_space<hbm>> -> memref<40x128xi32, #tpu.memory_space<hbm>>
      tpu.enqueue_dma source(%dma_start3A_41 : memref<40x128xi32, #tpu.memory_space<hbm>>) target(%arg8 : memref<40x128xi32, #tpu.memory_space<vmem>>) target_semaphore(%run_scoped3A : memref<!tpu.dma_semaphore, #tpu.memory_space<semaphore_mem>>)
      %dma_wait3A = arith.constant 0 : i32
      %dma_wait3A_42 = arith.constant 0 : i32
      %dma_wait3A_43 = tpu.memref_slice %arg4[%add3A, %dma_wait3A, %dma_wait3A_42] : memref<32x80x128xi32, #tpu.memory_space<hbm>> -> memref<1x80x128xi32, #tpu.memory_space<hbm>>
      %dma_wait3A_44 = tpu.memref_squeeze %dma_wait3A_43 : memref<1x80x128xi32, #tpu.memory_space<hbm>> -> memref<80x128xi32, #tpu.memory_space<hbm>>
      %dma_wait3A_45 = arith.constant 0 : i32
      %dma_wait3A_46 = arith.constant 0 : i32
      %dma_wait3A_47 = tpu.memref_slice %dma_wait3A_44[%dma_wait3A_45, %dma_wait3A_46] : memref<80x128xi32, #tpu.memory_space<hbm>> -> memref<40x128xi32, #tpu.memory_space<hbm>>
      %dma_wait3A_48 = arith.constant 0 : i32
      %dma_wait3A_49 = arith.constant 0 : i32
      %dma_wait3A_50 = tpu.memref_slice %arg4[%add3A, %dma_wait3A_48, %dma_wait3A_49] : memref<32x80x128xi32, #tpu.memory_space<hbm>> -> memref<1x80x128xi32, #tpu.memory_space<hbm>>
      %dma_wait3A_51 = tpu.memref_squeeze %dma_wait3A_50 : memref<1x80x128xi32, #tpu.memory_space<hbm>> -> memref<80x128xi32, #tpu.memory_space<hbm>>
      %dma_wait3A_52 = arith.constant 0 : i32
      %dma_wait3A_53 = arith.constant 0 : i32
      %dma_wait3A_54 = tpu.memref_slice %dma_wait3A_51[%dma_wait3A_52, %dma_wait3A_53] : memref<80x128xi32, #tpu.memory_space<hbm>> -> memref<40x128xi32, #tpu.memory_space<hbm>>
      tpu.wait_dma2 semaphore(%run_scoped3A : memref<!tpu.dma_semaphore, #tpu.memory_space<semaphore_mem>>) src(%dma_wait3A_54 : memref<40x128xi32, #tpu.memory_space<hbm>>) dst(%arg8 : memref<40x128xi32, #tpu.memory_space<vmem>>)
      tpu.yield
    }) : () -> ()
    %dma_start3A = arith.constant 0 : i32
    %dma_start3A_3 = arith.constant 0 : i32
    %dma_start3A_4 = tpu.memref_slice %arg7[%dma_start3A, %dma_start3A_3] : memref<40x128xi32, #tpu.memory_space<vmem>> -> memref<1x128xi32, #tpu.memory_space<vmem>>
    %dma_start3A_5 = tpu.memref_squeeze %dma_start3A_4 : memref<1x128xi32, #tpu.memory_space<vmem>> -> memref<128xi32, #tpu.memory_space<vmem>>
    %dma_start3A_6 = arith.constant 0 : i32
    %dma_start3A_7 = arith.constant 0 : i32
    %dma_start3A_8 = tpu.memref_slice %arg2[%dma_start3A_6, %dma_start3A_7] : memref<40000x128xf32, #tpu.memory_space<hbm>> -> memref<40000x128xf32, #tpu.memory_space<hbm>>
    tpu.enqueue_indirect_dma source(%dma_start3A_8 : memref<40000x128xf32, #tpu.memory_space<hbm>>) target(%arg9 : memref<128x128xf32, #tpu.memory_space<vmem>>) offsets(%dma_start3A_5 : memref<128xi32, #tpu.memory_space<vmem>>) semaphore(%arg12 : memref<!tpu.dma_semaphore, #tpu.memory_space<semaphore_mem>>)
    %scan3A = arith.constant 0 : i32
    %scan3A_9 = arith.constant 0 : i32
    %scan3A_10 = arith.constant 20 : i32
    %scan3A_11 = arith.addi %scan3A_9, %scan3A_10 : i32
    %scan3A_12 = arith.constant 1 : i32
    scf.for %scan3A_28 = %scan3A_9 to %scan3A_11 step %scan3A_12  : i32 {
      %mul3A_29 = arith.constant 2 : i32
      %mul3A_30 = arith.muli %mul3A_29, %scan3A_28 : i32
      %add3A_31 = arith.constant 1 : i32
      %add3A_32 = arith.addi %mul3A_30, %add3A_31 : i32
      %dma_start3A_33 = arith.constant 0 : i32
      %dma_start3A_34 = tpu.memref_slice %arg7[%add3A_32, %dma_start3A_33] : memref<40x128xi32, #tpu.memory_space<vmem>> -> memref<1x128xi32, #tpu.memory_space<vmem>>
      %dma_start3A_35 = tpu.memref_squeeze %dma_start3A_34 : memref<1x128xi32, #tpu.memory_space<vmem>> -> memref<128xi32, #tpu.memory_space<vmem>>
      %dma_start3A_36 = arith.constant 0 : i32
      %dma_start3A_37 = arith.constant 0 : i32
      %dma_start3A_38 = tpu.memref_slice %arg2[%dma_start3A_36, %dma_start3A_37] : memref<40000x128xf32, #tpu.memory_space<hbm>> -> memref<40000x128xf32, #tpu.memory_space<hbm>>
      tpu.enqueue_indirect_dma source(%dma_start3A_38 : memref<40000x128xf32, #tpu.memory_space<hbm>>) target(%arg10 : memref<128x128xf32, #tpu.memory_space<vmem>>) offsets(%dma_start3A_35 : memref<128xi32, #tpu.memory_space<vmem>>) semaphore(%arg13 : memref<!tpu.dma_semaphore, #tpu.memory_space<semaphore_mem>>)
      %dma_wait3A = arith.constant 0 : i32
      %dma_wait3A_39 = tpu.memref_slice %arg7[%mul3A_30, %dma_wait3A] : memref<40x128xi32, #tpu.memory_space<vmem>> -> memref<1x128xi32, #tpu.memory_space<vmem>>
      %dma_wait3A_40 = tpu.memref_squeeze %dma_wait3A_39 : memref<1x128xi32, #tpu.memory_space<vmem>> -> memref<128xi32, #tpu.memory_space<vmem>>
      %dma_wait3A_41 = arith.constant 0 : i32
      %dma_wait3A_42 = arith.constant 0 : i32
      %dma_wait3A_43 = tpu.memref_slice %arg2[%dma_wait3A_41, %dma_wait3A_42] : memref<40000x128xf32, #tpu.memory_space<hbm>> -> memref<40000x128xf32, #tpu.memory_space<hbm>>
      tpu.wait_indirect_dma semaphore(%arg12 : memref<!tpu.dma_semaphore, #tpu.memory_space<semaphore_mem>>) src(%dma_wait3A_43 : memref<40000x128xf32, #tpu.memory_space<hbm>>) dst(%arg9 : memref<128x128xf32, #tpu.memory_space<vmem>>)
      "tpu.region"() ({
        %run_scoped3A = tpu.sem_alloc : memref<!tpu.dma_semaphore, #tpu.memory_space<semaphore_mem>>
        %dma_start3A_58 = arith.constant 0 : i32
        %dma_start3A_59 = tpu.memref_slice %arg8[%mul3A_30, %dma_start3A_58] : memref<40x128xi32, #tpu.memory_space<vmem>> -> memref<1x128xi32, #tpu.memory_space<vmem>>
        %dma_start3A_60 = tpu.memref_squeeze %dma_start3A_59 : memref<1x128xi32, #tpu.memory_space<vmem>> -> memref<128xi32, #tpu.memory_space<vmem>>
        %dma_start3A_61 = arith.constant 0 : i32
        %dma_start3A_62 = arith.constant 0 : i32
        %dma_start3A_63 = tpu.memref_slice %arg11[%dma_start3A_61, %dma_start3A_62] : memref<10112x128xf32, #tpu.memory_space<vmem_shared>> -> memref<10112x128xf32, #tpu.memory_space<vmem_shared>>
        tpu.enqueue_indirect_dma source(%arg9 : memref<128x128xf32, #tpu.memory_space<vmem>>) target(%dma_start3A_63 : memref<10112x128xf32, #tpu.memory_space<vmem_shared>>) offsets(%dma_start3A_60 : memref<128xi32, #tpu.memory_space<vmem>>) semaphore(%run_scoped3A : memref<!tpu.dma_semaphore, #tpu.memory_space<semaphore_mem>>) {add = true}
        %dma_wait3A_64 = arith.constant 0 : i32
        %dma_wait3A_65 = tpu.memref_slice %arg8[%mul3A_30, %dma_wait3A_64] : memref<40x128xi32, #tpu.memory_space<vmem>> -> memref<1x128xi32, #tpu.memory_space<vmem>>
        %dma_wait3A_66 = tpu.memref_squeeze %dma_wait3A_65 : memref<1x128xi32, #tpu.memory_space<vmem>> -> memref<128xi32, #tpu.memory_space<vmem>>
        %dma_wait3A_67 = arith.constant 0 : i32
        %dma_wait3A_68 = arith.constant 0 : i32
        %dma_wait3A_69 = tpu.memref_slice %arg11[%dma_wait3A_67, %dma_wait3A_68] : memref<10112x128xf32, #tpu.memory_space<vmem_shared>> -> memref<10112x128xf32, #tpu.memory_space<vmem_shared>>
        tpu.wait_indirect_dma semaphore(%run_scoped3A : memref<!tpu.dma_semaphore, #tpu.memory_space<semaphore_mem>>) src(%arg9 : memref<128x128xf32, #tpu.memory_space<vmem>>) dst(%dma_wait3A_69 : memref<10112x128xf32, #tpu.memory_space<vmem_shared>>)
        tpu.yield
      }) : () -> ()
      %add3A_44 = arith.constant 2 : i32
      %add3A_45 = arith.addi %mul3A_30, %add3A_44 : i32
      %lt3A = arith.constant 40 : i32
      %lt3A_46 = arith.cmpi slt, %add3A_45, %lt3A : i32
      %convert_element_type3A = arith.extui %lt3A_46 : i1 to i32
      %cond3A = arith.constant 0 : i32
      %cond3A_47 = arith.cmpi ne, %convert_element_type3A, %cond3A : i32
      scf.if %cond3A_47 {
        %add3A_58 = arith.constant 2 : i32
        %add3A_59 = arith.addi %mul3A_30, %add3A_58 : i32
        %dma_start3A_60 = arith.constant 0 : i32
        %dma_start3A_61 = tpu.memref_slice %arg7[%add3A_59, %dma_start3A_60] : memref<40x128xi32, #tpu.memory_space<vmem>> -> memref<1x128xi32, #tpu.memory_space<vmem>>
        %dma_start3A_62 = tpu.memref_squeeze %dma_start3A_61 : memref<1x128xi32, #tpu.memory_space<vmem>> -> memref<128xi32, #tpu.memory_space<vmem>>
        %dma_start3A_63 = arith.constant 0 : i32
        %dma_start3A_64 = arith.constant 0 : i32
        %dma_start3A_65 = tpu.memref_slice %arg2[%dma_start3A_63, %dma_start3A_64] : memref<40000x128xf32, #tpu.memory_space<hbm>> -> memref<40000x128xf32, #tpu.memory_space<hbm>>
        tpu.enqueue_indirect_dma source(%dma_start3A_65 : memref<40000x128xf32, #tpu.memory_space<hbm>>) target(%arg9 : memref<128x128xf32, #tpu.memory_space<vmem>>) offsets(%dma_start3A_62 : memref<128xi32, #tpu.memory_space<vmem>>) semaphore(%arg12 : memref<!tpu.dma_semaphore, #tpu.memory_space<semaphore_mem>>)
      } else {
      }
      %add3A_48 = arith.constant 1 : i32
      %add3A_49 = arith.addi %mul3A_30, %add3A_48 : i32
      %dma_wait3A_50 = arith.constant 0 : i32
      %dma_wait3A_51 = tpu.memref_slice %arg7[%add3A_49, %dma_wait3A_50] : memref<40x128xi32, #tpu.memory_space<vmem>> -> memref<1x128xi32, #tpu.memory_space<vmem>>
      %dma_wait3A_52 = tpu.memref_squeeze %dma_wait3A_51 : memref<1x128xi32, #tpu.memory_space<vmem>> -> memref<128xi32, #tpu.memory_space<vmem>>
      %dma_wait3A_53 = arith.constant 0 : i32
      %dma_wait3A_54 = arith.constant 0 : i32
      %dma_wait3A_55 = tpu.memref_slice %arg2[%dma_wait3A_53, %dma_wait3A_54] : memref<40000x128xf32, #tpu.memory_space<hbm>> -> memref<40000x128xf32, #tpu.memory_space<hbm>>
      tpu.wait_indirect_dma semaphore(%arg13 : memref<!tpu.dma_semaphore, #tpu.memory_space<semaphore_mem>>) src(%dma_wait3A_55 : memref<40000x128xf32, #tpu.memory_space<hbm>>) dst(%arg10 : memref<128x128xf32, #tpu.memory_space<vmem>>)
      %add3A_56 = arith.constant 1 : i32
      %add3A_57 = arith.addi %mul3A_30, %add3A_56 : i32
      "tpu.region"() ({
        %run_scoped3A = tpu.sem_alloc : memref<!tpu.dma_semaphore, #tpu.memory_space<semaphore_mem>>
        %dma_start3A_58 = arith.constant 0 : i32
        %dma_start3A_59 = tpu.memref_slice %arg8[%add3A_57, %dma_start3A_58] : memref<40x128xi32, #tpu.memory_space<vmem>> -> memref<1x128xi32, #tpu.memory_space<vmem>>
        %dma_start3A_60 = tpu.memref_squeeze %dma_start3A_59 : memref<1x128xi32, #tpu.memory_space<vmem>> -> memref<128xi32, #tpu.memory_space<vmem>>
        %dma_start3A_61 = arith.constant 0 : i32
        %dma_start3A_62 = arith.constant 0 : i32
        %dma_start3A_63 = tpu.memref_slice %arg11[%dma_start3A_61, %dma_start3A_62] : memref<10112x128xf32, #tpu.memory_space<vmem_shared>> -> memref<10112x128xf32, #tpu.memory_space<vmem_shared>>
        tpu.enqueue_indirect_dma source(%arg10 : memref<128x128xf32, #tpu.memory_space<vmem>>) target(%dma_start3A_63 : memref<10112x128xf32, #tpu.memory_space<vmem_shared>>) offsets(%dma_start3A_60 : memref<128xi32, #tpu.memory_space<vmem>>) semaphore(%run_scoped3A : memref<!tpu.dma_semaphore, #tpu.memory_space<semaphore_mem>>) {add = true}
        %dma_wait3A_64 = arith.constant 0 : i32
        %dma_wait3A_65 = tpu.memref_slice %arg8[%add3A_57, %dma_wait3A_64] : memref<40x128xi32, #tpu.memory_space<vmem>> -> memref<1x128xi32, #tpu.memory_space<vmem>>
        %dma_wait3A_66 = tpu.memref_squeeze %dma_wait3A_65 : memref<1x128xi32, #tpu.memory_space<vmem>> -> memref<128xi32, #tpu.memory_space<vmem>>
        %dma_wait3A_67 = arith.constant 0 : i32
        %dma_wait3A_68 = arith.constant 0 : i32
        %dma_wait3A_69 = tpu.memref_slice %arg11[%dma_wait3A_67, %dma_wait3A_68] : memref<10112x128xf32, #tpu.memory_space<vmem_shared>> -> memref<10112x128xf32, #tpu.memory_space<vmem_shared>>
        tpu.wait_indirect_dma semaphore(%run_scoped3A : memref<!tpu.dma_semaphore, #tpu.memory_space<semaphore_mem>>) src(%arg10 : memref<128x128xf32, #tpu.memory_space<vmem>>) dst(%dma_wait3A_69 : memref<10112x128xf32, #tpu.memory_space<vmem_shared>>)
        tpu.yield
      }) : () -> ()
    }
    %scan3A_13 = arith.constant 20 : i32
    "tpu.region"() ({
      %run_scoped3A = tpu.sem_alloc : memref<!tpu.dma_semaphore, #tpu.memory_space<semaphore_mem>>
      %dma_start3A_28 = arith.constant 0 : i32
      %dma_start3A_29 = arith.constant 0 : i32
      %dma_start3A_30 = tpu.memref_slice %arg3[%add3A, %dma_start3A_28, %dma_start3A_29] : memref<32x80x128xi32, #tpu.memory_space<hbm>> -> memref<1x80x128xi32, #tpu.memory_space<hbm>>
      %dma_start3A_31 = tpu.memref_squeeze %dma_start3A_30 : memref<1x80x128xi32, #tpu.memory_space<hbm>> -> memref<80x128xi32, #tpu.memory_space<hbm>>
      %dma_start3A_32 = arith.constant 40 : i32
      %dma_start3A_33 = arith.constant 0 : i32
      %dma_start3A_34 = tpu.memref_slice %dma_start3A_31[%dma_start3A_32, %dma_start3A_33] : memref<80x128xi32, #tpu.memory_space<hbm>> -> memref<40x128xi32, #tpu.memory_space<hbm>>
      %dma_start3A_35 = arith.constant 0 : i32
      %dma_start3A_36 = arith.constant 0 : i32
      %dma_start3A_37 = tpu.memref_slice %arg3[%add3A, %dma_start3A_35, %dma_start3A_36] : memref<32x80x128xi32, #tpu.memory_space<hbm>> -> memref<1x80x128xi32, #tpu.memory_space<hbm>>
      %dma_start3A_38 = tpu.memref_squeeze %dma_start3A_37 : memref<1x80x128xi32, #tpu.memory_space<hbm>> -> memref<80x128xi32, #tpu.memory_space<hbm>>
      %dma_start3A_39 = arith.constant 40 : i32
      %dma_start3A_40 = arith.constant 0 : i32
      %dma_start3A_41 = tpu.memref_slice %dma_start3A_38[%dma_start3A_39, %dma_start3A_40] : memref<80x128xi32, #tpu.memory_space<hbm>> -> memref<40x128xi32, #tpu.memory_space<hbm>>
      tpu.enqueue_dma source(%dma_start3A_41 : memref<40x128xi32, #tpu.memory_space<hbm>>) target(%arg7 : memref<40x128xi32, #tpu.memory_space<vmem>>) target_semaphore(%run_scoped3A : memref<!tpu.dma_semaphore, #tpu.memory_space<semaphore_mem>>)
      %dma_wait3A = arith.constant 0 : i32
      %dma_wait3A_42 = arith.constant 0 : i32
      %dma_wait3A_43 = tpu.memref_slice %arg3[%add3A, %dma_wait3A, %dma_wait3A_42] : memref<32x80x128xi32, #tpu.memory_space<hbm>> -> memref<1x80x128xi32, #tpu.memory_space<hbm>>
      %dma_wait3A_44 = tpu.memref_squeeze %dma_wait3A_43 : memref<1x80x128xi32, #tpu.memory_space<hbm>> -> memref<80x128xi32, #tpu.memory_space<hbm>>
      %dma_wait3A_45 = arith.constant 40 : i32
      %dma_wait3A_46 = arith.constant 0 : i32
      %dma_wait3A_47 = tpu.memref_slice %dma_wait3A_44[%dma_wait3A_45, %dma_wait3A_46] : memref<80x128xi32, #tpu.memory_space<hbm>> -> memref<40x128xi32, #tpu.memory_space<hbm>>
      %dma_wait3A_48 = arith.constant 0 : i32
      %dma_wait3A_49 = arith.constant 0 : i32
      %dma_wait3A_50 = tpu.memref_slice %arg3[%add3A, %dma_wait3A_48, %dma_wait3A_49] : memref<32x80x128xi32, #tpu.memory_space<hbm>> -> memref<1x80x128xi32, #tpu.memory_space<hbm>>
      %dma_wait3A_51 = tpu.memref_squeeze %dma_wait3A_50 : memref<1x80x128xi32, #tpu.memory_space<hbm>> -> memref<80x128xi32, #tpu.memory_space<hbm>>
      %dma_wait3A_52 = arith.constant 40 : i32
      %dma_wait3A_53 = arith.constant 0 : i32
      %dma_wait3A_54 = tpu.memref_slice %dma_wait3A_51[%dma_wait3A_52, %dma_wait3A_53] : memref<80x128xi32, #tpu.memory_space<hbm>> -> memref<40x128xi32, #tpu.memory_space<hbm>>
      tpu.wait_dma2 semaphore(%run_scoped3A : memref<!tpu.dma_semaphore, #tpu.memory_space<semaphore_mem>>) src(%dma_wait3A_54 : memref<40x128xi32, #tpu.memory_space<hbm>>) dst(%arg7 : memref<40x128xi32, #tpu.memory_space<vmem>>)
      tpu.yield
    }) : () -> ()
    "tpu.region"() ({
      %run_scoped3A = tpu.sem_alloc : memref<!tpu.dma_semaphore, #tpu.memory_space<semaphore_mem>>
      %dma_start3A_28 = arith.constant 0 : i32
      %dma_start3A_29 = arith.constant 0 : i32
      %dma_start3A_30 = tpu.memref_slice %arg4[%add3A, %dma_start3A_28, %dma_start3A_29] : memref<32x80x128xi32, #tpu.memory_space<hbm>> -> memref<1x80x128xi32, #tpu.memory_space<hbm>>
      %dma_start3A_31 = tpu.memref_squeeze %dma_start3A_30 : memref<1x80x128xi32, #tpu.memory_space<hbm>> -> memref<80x128xi32, #tpu.memory_space<hbm>>
      %dma_start3A_32 = arith.constant 40 : i32
      %dma_start3A_33 = arith.constant 0 : i32
      %dma_start3A_34 = tpu.memref_slice %dma_start3A_31[%dma_start3A_32, %dma_start3A_33] : memref<80x128xi32, #tpu.memory_space<hbm>> -> memref<40x128xi32, #tpu.memory_space<hbm>>
      %dma_start3A_35 = arith.constant 0 : i32
      %dma_start3A_36 = arith.constant 0 : i32
      %dma_start3A_37 = tpu.memref_slice %arg4[%add3A, %dma_start3A_35, %dma_start3A_36] : memref<32x80x128xi32, #tpu.memory_space<hbm>> -> memref<1x80x128xi32, #tpu.memory_space<hbm>>
      %dma_start3A_38 = tpu.memref_squeeze %dma_start3A_37 : memref<1x80x128xi32, #tpu.memory_space<hbm>> -> memref<80x128xi32, #tpu.memory_space<hbm>>
      %dma_start3A_39 = arith.constant 40 : i32
      %dma_start3A_40 = arith.constant 0 : i32
      %dma_start3A_41 = tpu.memref_slice %dma_start3A_38[%dma_start3A_39, %dma_start3A_40] : memref<80x128xi32, #tpu.memory_space<hbm>> -> memref<40x128xi32, #tpu.memory_space<hbm>>
      tpu.enqueue_dma source(%dma_start3A_41 : memref<40x128xi32, #tpu.memory_space<hbm>>) target(%arg8 : memref<40x128xi32, #tpu.memory_space<vmem>>) target_semaphore(%run_scoped3A : memref<!tpu.dma_semaphore, #tpu.memory_space<semaphore_mem>>)
      %dma_wait3A = arith.constant 0 : i32
      %dma_wait3A_42 = arith.constant 0 : i32
      %dma_wait3A_43 = tpu.memref_slice %arg4[%add3A, %dma_wait3A, %dma_wait3A_42] : memref<32x80x128xi32, #tpu.memory_space<hbm>> -> memref<1x80x128xi32, #tpu.memory_space<hbm>>
      %dma_wait3A_44 = tpu.memref_squeeze %dma_wait3A_43 : memref<1x80x128xi32, #tpu.memory_space<hbm>> -> memref<80x128xi32, #tpu.memory_space<hbm>>
      %dma_wait3A_45 = arith.constant 40 : i32
      %dma_wait3A_46 = arith.constant 0 : i32
      %dma_wait3A_47 = tpu.memref_slice %dma_wait3A_44[%dma_wait3A_45, %dma_wait3A_46] : memref<80x128xi32, #tpu.memory_space<hbm>> -> memref<40x128xi32, #tpu.memory_space<hbm>>
      %dma_wait3A_48 = arith.constant 0 : i32
      %dma_wait3A_49 = arith.constant 0 : i32
      %dma_wait3A_50 = tpu.memref_slice %arg4[%add3A, %dma_wait3A_48, %dma_wait3A_49] : memref<32x80x128xi32, #tpu.memory_space<hbm>> -> memref<1x80x128xi32, #tpu.memory_space<hbm>>
      %dma_wait3A_51 = tpu.memref_squeeze %dma_wait3A_50 : memref<1x80x128xi32, #tpu.memory_space<hbm>> -> memref<80x128xi32, #tpu.memory_space<hbm>>
      %dma_wait3A_52 = arith.constant 40 : i32
      %dma_wait3A_53 = arith.constant 0 : i32
      %dma_wait3A_54 = tpu.memref_slice %dma_wait3A_51[%dma_wait3A_52, %dma_wait3A_53] : memref<80x128xi32, #tpu.memory_space<hbm>> -> memref<40x128xi32, #tpu.memory_space<hbm>>
      tpu.wait_dma2 semaphore(%run_scoped3A : memref<!tpu.dma_semaphore, #tpu.memory_space<semaphore_mem>>) src(%dma_wait3A_54 : memref<40x128xi32, #tpu.memory_space<hbm>>) dst(%arg8 : memref<40x128xi32, #tpu.memory_space<vmem>>)
      tpu.yield
    }) : () -> ()
    %dma_start3A_14 = arith.constant 0 : i32
    %dma_start3A_15 = arith.constant 0 : i32
    %dma_start3A_16 = tpu.memref_slice %arg7[%dma_start3A_14, %dma_start3A_15] : memref<40x128xi32, #tpu.memory_space<vmem>> -> memref<1x128xi32, #tpu.memory_space<vmem>>
    %dma_start3A_17 = tpu.memref_squeeze %dma_start3A_16 : memref<1x128xi32, #tpu.memory_space<vmem>> -> memref<128xi32, #tpu.memory_space<vmem>>
    %dma_start3A_18 = arith.constant 0 : i32
    %dma_start3A_19 = arith.constant 0 : i32
    %dma_start3A_20 = tpu.memref_slice %arg2[%dma_start3A_18, %dma_start3A_19] : memref<40000x128xf32, #tpu.memory_space<hbm>> -> memref<40000x128xf32, #tpu.memory_space<hbm>>
    tpu.enqueue_indirect_dma source(%dma_start3A_20 : memref<40000x128xf32, #tpu.memory_space<hbm>>) target(%arg9 : memref<128x128xf32, #tpu.memory_space<vmem>>) offsets(%dma_start3A_17 : memref<128xi32, #tpu.memory_space<vmem>>) semaphore(%arg12 : memref<!tpu.dma_semaphore, #tpu.memory_space<semaphore_mem>>)
    %scan3A_21 = arith.constant 0 : i32
    %scan3A_22 = arith.constant 0 : i32
    %scan3A_23 = arith.constant 20 : i32
    %scan3A_24 = arith.addi %scan3A_22, %scan3A_23 : i32
    %scan3A_25 = arith.constant 1 : i32
    scf.for %scan3A_28 = %scan3A_22 to %scan3A_24 step %scan3A_25  : i32 {
      %mul3A_29 = arith.constant 2 : i32
      %mul3A_30 = arith.muli %mul3A_29, %scan3A_28 : i32
      %add3A_31 = arith.constant 1 : i32
      %add3A_32 = arith.addi %mul3A_30, %add3A_31 : i32
      %dma_start3A_33 = arith.constant 0 : i32
      %dma_start3A_34 = tpu.memref_slice %arg7[%add3A_32, %dma_start3A_33] : memref<40x128xi32, #tpu.memory_space<vmem>> -> memref<1x128xi32, #tpu.memory_space<vmem>>
      %dma_start3A_35 = tpu.memref_squeeze %dma_start3A_34 : memref<1x128xi32, #tpu.memory_space<vmem>> -> memref<128xi32, #tpu.memory_space<vmem>>
      %dma_start3A_36 = arith.constant 0 : i32
      %dma_start3A_37 = arith.constant 0 : i32
      %dma_start3A_38 = tpu.memref_slice %arg2[%dma_start3A_36, %dma_start3A_37] : memref<40000x128xf32, #tpu.memory_space<hbm>> -> memref<40000x128xf32, #tpu.memory_space<hbm>>
      tpu.enqueue_indirect_dma source(%dma_start3A_38 : memref<40000x128xf32, #tpu.memory_space<hbm>>) target(%arg10 : memref<128x128xf32, #tpu.memory_space<vmem>>) offsets(%dma_start3A_35 : memref<128xi32, #tpu.memory_space<vmem>>) semaphore(%arg13 : memref<!tpu.dma_semaphore, #tpu.memory_space<semaphore_mem>>)
      %dma_wait3A = arith.constant 0 : i32
      %dma_wait3A_39 = tpu.memref_slice %arg7[%mul3A_30, %dma_wait3A] : memref<40x128xi32, #tpu.memory_space<vmem>> -> memref<1x128xi32, #tpu.memory_space<vmem>>
      %dma_wait3A_40 = tpu.memref_squeeze %dma_wait3A_39 : memref<1x128xi32, #tpu.memory_space<vmem>> -> memref<128xi32, #tpu.memory_space<vmem>>
      %dma_wait3A_41 = arith.constant 0 : i32
      %dma_wait3A_42 = arith.constant 0 : i32
      %dma_wait3A_43 = tpu.memref_slice %arg2[%dma_wait3A_41, %dma_wait3A_42] : memref<40000x128xf32, #tpu.memory_space<hbm>> -> memref<40000x128xf32, #tpu.memory_space<hbm>>
      tpu.wait_indirect_dma semaphore(%arg12 : memref<!tpu.dma_semaphore, #tpu.memory_space<semaphore_mem>>) src(%dma_wait3A_43 : memref<40000x128xf32, #tpu.memory_space<hbm>>) dst(%arg9 : memref<128x128xf32, #tpu.memory_space<vmem>>)
      "tpu.region"() ({
        %run_scoped3A = tpu.sem_alloc : memref<!tpu.dma_semaphore, #tpu.memory_space<semaphore_mem>>
        %dma_start3A_58 = arith.constant 0 : i32
        %dma_start3A_59 = tpu.memref_slice %arg8[%mul3A_30, %dma_start3A_58] : memref<40x128xi32, #tpu.memory_space<vmem>> -> memref<1x128xi32, #tpu.memory_space<vmem>>
        %dma_start3A_60 = tpu.memref_squeeze %dma_start3A_59 : memref<1x128xi32, #tpu.memory_space<vmem>> -> memref<128xi32, #tpu.memory_space<vmem>>
        %dma_start3A_61 = arith.constant 0 : i32
        %dma_start3A_62 = arith.constant 0 : i32
        %dma_start3A_63 = tpu.memref_slice %arg11[%dma_start3A_61, %dma_start3A_62] : memref<10112x128xf32, #tpu.memory_space<vmem_shared>> -> memref<10112x128xf32, #tpu.memory_space<vmem_shared>>
        tpu.enqueue_indirect_dma source(%arg9 : memref<128x128xf32, #tpu.memory_space<vmem>>) target(%dma_start3A_63 : memref<10112x128xf32, #tpu.memory_space<vmem_shared>>) offsets(%dma_start3A_60 : memref<128xi32, #tpu.memory_space<vmem>>) semaphore(%run_scoped3A : memref<!tpu.dma_semaphore, #tpu.memory_space<semaphore_mem>>) {add = true}
        %dma_wait3A_64 = arith.constant 0 : i32
        %dma_wait3A_65 = tpu.memref_slice %arg8[%mul3A_30, %dma_wait3A_64] : memref<40x128xi32, #tpu.memory_space<vmem>> -> memref<1x128xi32, #tpu.memory_space<vmem>>
        %dma_wait3A_66 = tpu.memref_squeeze %dma_wait3A_65 : memref<1x128xi32, #tpu.memory_space<vmem>> -> memref<128xi32, #tpu.memory_space<vmem>>
        %dma_wait3A_67 = arith.constant 0 : i32
        %dma_wait3A_68 = arith.constant 0 : i32
        %dma_wait3A_69 = tpu.memref_slice %arg11[%dma_wait3A_67, %dma_wait3A_68] : memref<10112x128xf32, #tpu.memory_space<vmem_shared>> -> memref<10112x128xf32, #tpu.memory_space<vmem_shared>>
        tpu.wait_indirect_dma semaphore(%run_scoped3A : memref<!tpu.dma_semaphore, #tpu.memory_space<semaphore_mem>>) src(%arg9 : memref<128x128xf32, #tpu.memory_space<vmem>>) dst(%dma_wait3A_69 : memref<10112x128xf32, #tpu.memory_space<vmem_shared>>)
        tpu.yield
      }) : () -> ()
      %add3A_44 = arith.constant 2 : i32
      %add3A_45 = arith.addi %mul3A_30, %add3A_44 : i32
      %lt3A = arith.constant 40 : i32
      %lt3A_46 = arith.cmpi slt, %add3A_45, %lt3A : i32
      %convert_element_type3A = arith.extui %lt3A_46 : i1 to i32
      %cond3A = arith.constant 0 : i32
      %cond3A_47 = arith.cmpi ne, %convert_element_type3A, %cond3A : i32
      scf.if %cond3A_47 {
        %add3A_58 = arith.constant 2 : i32
        %add3A_59 = arith.addi %mul3A_30, %add3A_58 : i32
        %dma_start3A_60 = arith.constant 0 : i32
        %dma_start3A_61 = tpu.memref_slice %arg7[%add3A_59, %dma_start3A_60] : memref<40x128xi32, #tpu.memory_space<vmem>> -> memref<1x128xi32, #tpu.memory_space<vmem>>
        %dma_start3A_62 = tpu.memref_squeeze %dma_start3A_61 : memref<1x128xi32, #tpu.memory_space<vmem>> -> memref<128xi32, #tpu.memory_space<vmem>>
        %dma_start3A_63 = arith.constant 0 : i32
        %dma_start3A_64 = arith.constant 0 : i32
        %dma_start3A_65 = tpu.memref_slice %arg2[%dma_start3A_63, %dma_start3A_64] : memref<40000x128xf32, #tpu.memory_space<hbm>> -> memref<40000x128xf32, #tpu.memory_space<hbm>>
        tpu.enqueue_indirect_dma source(%dma_start3A_65 : memref<40000x128xf32, #tpu.memory_space<hbm>>) target(%arg9 : memref<128x128xf32, #tpu.memory_space<vmem>>) offsets(%dma_start3A_62 : memref<128xi32, #tpu.memory_space<vmem>>) semaphore(%arg12 : memref<!tpu.dma_semaphore, #tpu.memory_space<semaphore_mem>>)
      } else {
      }
      %add3A_48 = arith.constant 1 : i32
      %add3A_49 = arith.addi %mul3A_30, %add3A_48 : i32
      %dma_wait3A_50 = arith.constant 0 : i32
      %dma_wait3A_51 = tpu.memref_slice %arg7[%add3A_49, %dma_wait3A_50] : memref<40x128xi32, #tpu.memory_space<vmem>> -> memref<1x128xi32, #tpu.memory_space<vmem>>
      %dma_wait3A_52 = tpu.memref_squeeze %dma_wait3A_51 : memref<1x128xi32, #tpu.memory_space<vmem>> -> memref<128xi32, #tpu.memory_space<vmem>>
      %dma_wait3A_53 = arith.constant 0 : i32
      %dma_wait3A_54 = arith.constant 0 : i32
      %dma_wait3A_55 = tpu.memref_slice %arg2[%dma_wait3A_53, %dma_wait3A_54] : memref<40000x128xf32, #tpu.memory_space<hbm>> -> memref<40000x128xf32, #tpu.memory_space<hbm>>
      tpu.wait_indirect_dma semaphore(%arg13 : memref<!tpu.dma_semaphore, #tpu.memory_space<semaphore_mem>>) src(%dma_wait3A_55 : memref<40000x128xf32, #tpu.memory_space<hbm>>) dst(%arg10 : memref<128x128xf32, #tpu.memory_space<vmem>>)
      %add3A_56 = arith.constant 1 : i32
      %add3A_57 = arith.addi %mul3A_30, %add3A_56 : i32
      "tpu.region"() ({
        %run_scoped3A = tpu.sem_alloc : memref<!tpu.dma_semaphore, #tpu.memory_space<semaphore_mem>>
        %dma_start3A_58 = arith.constant 0 : i32
        %dma_start3A_59 = tpu.memref_slice %arg8[%add3A_57, %dma_start3A_58] : memref<40x128xi32, #tpu.memory_space<vmem>> -> memref<1x128xi32, #tpu.memory_space<vmem>>
        %dma_start3A_60 = tpu.memref_squeeze %dma_start3A_59 : memref<1x128xi32, #tpu.memory_space<vmem>> -> memref<128xi32, #tpu.memory_space<vmem>>
        %dma_start3A_61 = arith.constant 0 : i32
        %dma_start3A_62 = arith.constant 0 : i32
        %dma_start3A_63 = tpu.memref_slice %arg11[%dma_start3A_61, %dma_start3A_62] : memref<10112x128xf32, #tpu.memory_space<vmem_shared>> -> memref<10112x128xf32, #tpu.memory_space<vmem_shared>>
        tpu.enqueue_indirect_dma source(%arg10 : memref<128x128xf32, #tpu.memory_space<vmem>>) target(%dma_start3A_63 : memref<10112x128xf32, #tpu.memory_space<vmem_shared>>) offsets(%dma_start3A_60 : memref<128xi32, #tpu.memory_space<vmem>>) semaphore(%run_scoped3A : memref<!tpu.dma_semaphore, #tpu.memory_space<semaphore_mem>>) {add = true}
        %dma_wait3A_64 = arith.constant 0 : i32
        %dma_wait3A_65 = tpu.memref_slice %arg8[%add3A_57, %dma_wait3A_64] : memref<40x128xi32, #tpu.memory_space<vmem>> -> memref<1x128xi32, #tpu.memory_space<vmem>>
        %dma_wait3A_66 = tpu.memref_squeeze %dma_wait3A_65 : memref<1x128xi32, #tpu.memory_space<vmem>> -> memref<128xi32, #tpu.memory_space<vmem>>
        %dma_wait3A_67 = arith.constant 0 : i32
        %dma_wait3A_68 = arith.constant 0 : i32
        %dma_wait3A_69 = tpu.memref_slice %arg11[%dma_wait3A_67, %dma_wait3A_68] : memref<10112x128xf32, #tpu.memory_space<vmem_shared>> -> memref<10112x128xf32, #tpu.memory_space<vmem_shared>>
        tpu.wait_indirect_dma semaphore(%run_scoped3A : memref<!tpu.dma_semaphore, #tpu.memory_space<semaphore_mem>>) src(%arg10 : memref<128x128xf32, #tpu.memory_space<vmem>>) dst(%dma_wait3A_69 : memref<10112x128xf32, #tpu.memory_space<vmem_shared>>)
        tpu.yield
      }) : () -> ()
    }
    %scan3A_26 = arith.constant 20 : i32
    %barrier3A_27 = arith.constant 0 : index
    tpu.barrier barrier_id(%barrier3A_27)
    "tpu.region"() ({
      %run_scoped3A = tpu.sem_alloc : memref<!tpu.dma_semaphore, #tpu.memory_space<semaphore_mem>>
      %dma_start3A_28 = arith.constant 0 : i32
      %dma_start3A_29 = arith.constant 0 : i32
      %dma_start3A_30 = tpu.memref_slice %arg6[%arg0, %dma_start3A_28, %dma_start3A_29] : memref<2x10112x128xf32, #tpu.memory_space<hbm>> -> memref<1x10112x128xf32, #tpu.memory_space<hbm>>
      %dma_start3A_31 = tpu.memref_squeeze %dma_start3A_30 : memref<1x10112x128xf32, #tpu.memory_space<hbm>> -> memref<10112x128xf32, #tpu.memory_space<hbm>>
      %dma_start3A_32 = arith.constant 0 : i32
      %dma_start3A_33 = tpu.memref_slice %dma_start3A_31[%mul3A_2, %dma_start3A_32] : memref<10112x128xf32, #tpu.memory_space<hbm>> -> memref<632x128xf32, #tpu.memory_space<hbm>>
      %dma_start3A_34 = arith.constant 0 : i32
      %dma_start3A_35 = tpu.memref_slice %arg11[%mul3A_2, %dma_start3A_34] : memref<10112x128xf32, #tpu.memory_space<vmem_shared>> -> memref<632x128xf32, #tpu.memory_space<vmem_shared>>
      tpu.enqueue_dma source(%dma_start3A_35 : memref<632x128xf32, #tpu.memory_space<vmem_shared>>) target(%dma_start3A_33 : memref<632x128xf32, #tpu.memory_space<hbm>>) target_semaphore(%run_scoped3A : memref<!tpu.dma_semaphore, #tpu.memory_space<semaphore_mem>>)
      %dma_wait3A = arith.constant 0 : i32
      %dma_wait3A_36 = arith.constant 0 : i32
      %dma_wait3A_37 = tpu.memref_slice %arg6[%arg0, %dma_wait3A, %dma_wait3A_36] : memref<2x10112x128xf32, #tpu.memory_space<hbm>> -> memref<1x10112x128xf32, #tpu.memory_space<hbm>>
      %dma_wait3A_38 = tpu.memref_squeeze %dma_wait3A_37 : memref<1x10112x128xf32, #tpu.memory_space<hbm>> -> memref<10112x128xf32, #tpu.memory_space<hbm>>
      %dma_wait3A_39 = arith.constant 0 : i32
      %dma_wait3A_40 = tpu.memref_slice %dma_wait3A_38[%mul3A_2, %dma_wait3A_39] : memref<10112x128xf32, #tpu.memory_space<hbm>> -> memref<632x128xf32, #tpu.memory_space<hbm>>
      %dma_wait3A_41 = arith.constant 0 : i32
      %dma_wait3A_42 = tpu.memref_slice %arg11[%mul3A_2, %dma_wait3A_41] : memref<10112x128xf32, #tpu.memory_space<vmem_shared>> -> memref<632x128xf32, #tpu.memory_space<vmem_shared>>
      tpu.wait_dma2 semaphore(%run_scoped3A : memref<!tpu.dma_semaphore, #tpu.memory_space<semaphore_mem>>) src(%dma_wait3A_42 : memref<632x128xf32, #tpu.memory_space<vmem_shared>>) dst(%dma_wait3A_40 : memref<632x128xf32, #tpu.memory_space<hbm>>)
      tpu.yield
    }) : () -> ()
    return
  }
}

module attributes {stable_mosaic.version = 14 : i64} {
  func.func @_msg_body(%arg0: i32, %arg1: memref<2000x128xf32, #tpu.memory_space<vmem>>, %arg2: memref<4x128x128xf32, #tpu.memory_space<vmem>>, %arg3: memref<4x128xf32, #tpu.memory_space<vmem>>, %arg4: memref<4x128x128xf32, #tpu.memory_space<vmem>>, %arg5: memref<4x128xf32, #tpu.memory_space<vmem>>, %arg6: memref<4x2000x128xf32, #tpu.memory_space<vmem>>) attributes {dimension_semantics = [#tpu.dimension_semantics<arbitrary>], iteration_bounds = array<i64: 5>, scalar_prefetch = 0 : i64, scratch_operands = 0 : i64, tpu.core_type = #tpu.core_type<tc>, window_params = [{transform_indices = @transform_0, window_bounds = array<i64: 2000, 128>}, {pipeline_mode = #tpu.pipeline_mode<synchronous>, transform_indices = @transform_1, window_bounds = array<i64: 4, 128, 128>}, {pipeline_mode = #tpu.pipeline_mode<synchronous>, transform_indices = @transform_2, window_bounds = array<i64: 4, 128>}, {pipeline_mode = #tpu.pipeline_mode<synchronous>, transform_indices = @transform_3, window_bounds = array<i64: 4, 128, 128>}, {pipeline_mode = #tpu.pipeline_mode<synchronous>, transform_indices = @transform_4, window_bounds = array<i64: 4, 128>}, {transform_indices = @transform_5, window_bounds = array<i64: 4, 2000, 128>}]} {
    %get3A = arith.constant 0 : index
    %get3A_0 = arith.constant 0 : index
    %get3A_1 = vector.load %arg1[%get3A, %get3A_0] : memref<2000x128xf32, #tpu.memory_space<vmem>>, vector<2000x128xf32>
    %get3A_2 = arith.constant 0 : index
    %get3A_3 = arith.constant 0 : index
    %get3A_4 = arith.constant 0 : index
    %get3A_5 = vector.load %arg2[%get3A_2, %get3A_3, %get3A_4] : memref<4x128x128xf32, #tpu.memory_space<vmem>>, vector<1x128x128xf32>
    %get3A_6 = vector.shape_cast %get3A_5 : vector<1x128x128xf32> to vector<128x128xf32>
    %dot_general3A = arith.constant dense<0.000000e+00> : vector<2000x128xf32>
    %dot_general3A_7 = tpu.matmul %get3A_1, %get3A_6, %dot_general3A {dimension_numbers = #tpu.dot_dimension_numbers<[1], [0], [0], [1], [0, 0, 1, 1], [], []>, transpose_lhs_hint = false} : vector<2000x128xf32>, vector<128x128xf32>, vector<2000x128xf32> -> vector<2000x128xf32>
    %get3A_8 = arith.constant 0 : index
    %get3A_9 = arith.constant 0 : index
    %get3A_10 = vector.load %arg3[%get3A_8, %get3A_9] : memref<4x128xf32, #tpu.memory_space<vmem>>, vector<1x128xf32>
    %get3A_11 = vector.shape_cast %get3A_10 : vector<1x128xf32> to vector<128xf32>
    %broadcast_in_dim3A = vector.shape_cast %get3A_11 : vector<128xf32> to vector<1x128xf32>
    %add3A = vector.broadcast %broadcast_in_dim3A : vector<1x128xf32> to vector<2000x128xf32>
    %add3A_12 = arith.addf %dot_general3A_7, %add3A : vector<2000x128xf32>
    %max3A = arith.constant 0.000000e+00 : f32
    %max3A_13 = vector.broadcast %max3A : f32 to vector<2000x128xf32>
    %max3A_14 = arith.maximumf %add3A_12, %max3A_13 : vector<2000x128xf32>
    %get3A_15 = arith.constant 0 : index
    %get3A_16 = arith.constant 0 : index
    %get3A_17 = arith.constant 0 : index
    %get3A_18 = vector.load %arg4[%get3A_15, %get3A_16, %get3A_17] : memref<4x128x128xf32, #tpu.memory_space<vmem>>, vector<1x128x128xf32>
    %get3A_19 = vector.shape_cast %get3A_18 : vector<1x128x128xf32> to vector<128x128xf32>
    %dot_general3A_20 = arith.constant dense<0.000000e+00> : vector<2000x128xf32>
    %dot_general3A_21 = tpu.matmul %max3A_14, %get3A_19, %dot_general3A_20 {dimension_numbers = #tpu.dot_dimension_numbers<[1], [0], [0], [1], [0, 0, 1, 1], [], []>, transpose_lhs_hint = false} : vector<2000x128xf32>, vector<128x128xf32>, vector<2000x128xf32> -> vector<2000x128xf32>
    %get3A_22 = arith.constant 0 : index
    %get3A_23 = arith.constant 0 : index
    %get3A_24 = vector.load %arg5[%get3A_22, %get3A_23] : memref<4x128xf32, #tpu.memory_space<vmem>>, vector<1x128xf32>
    %get3A_25 = vector.shape_cast %get3A_24 : vector<1x128xf32> to vector<128xf32>
    %broadcast_in_dim3A_26 = vector.shape_cast %get3A_25 : vector<128xf32> to vector<1x128xf32>
    %add3A_27 = vector.broadcast %broadcast_in_dim3A_26 : vector<1x128xf32> to vector<2000x128xf32>
    %add3A_28 = arith.addf %dot_general3A_21, %add3A_27 : vector<2000x128xf32>
    %swap3A = arith.constant 0 : index
    %swap3A_29 = arith.constant 0 : index
    %swap3A_30 = arith.constant 0 : index
    %swap3A_31 = vector.load %arg6[%swap3A, %swap3A_29, %swap3A_30] : memref<4x2000x128xf32, #tpu.memory_space<vmem>>, vector<1x2000x128xf32>
    %swap3A_32 = vector.shape_cast %swap3A_31 : vector<1x2000x128xf32> to vector<2000x128xf32>
    %swap3A_33 = vector.shape_cast %add3A_28 : vector<2000x128xf32> to vector<1x2000x128xf32>
    tpu.vector_store %arg6[%swap3A, %swap3A_29, %swap3A_30], %swap3A_33 {strides = array<i32>} : memref<4x2000x128xf32, #tpu.memory_space<vmem>>, vector<1x2000x128xf32>,
    %get3A_34 = arith.constant 1 : index
    %get3A_35 = arith.constant 0 : index
    %get3A_36 = arith.constant 0 : index
    %get3A_37 = vector.load %arg2[%get3A_34, %get3A_35, %get3A_36] : memref<4x128x128xf32, #tpu.memory_space<vmem>>, vector<1x128x128xf32>
    %get3A_38 = vector.shape_cast %get3A_37 : vector<1x128x128xf32> to vector<128x128xf32>
    %dot_general3A_39 = arith.constant dense<0.000000e+00> : vector<2000x128xf32>
    %dot_general3A_40 = tpu.matmul %get3A_1, %get3A_38, %dot_general3A_39 {dimension_numbers = #tpu.dot_dimension_numbers<[1], [0], [0], [1], [0, 0, 1, 1], [], []>, transpose_lhs_hint = false} : vector<2000x128xf32>, vector<128x128xf32>, vector<2000x128xf32> -> vector<2000x128xf32>
    %get3A_41 = arith.constant 1 : index
    %get3A_42 = arith.constant 0 : index
    %get3A_43 = vector.load %arg3[%get3A_41, %get3A_42] : memref<4x128xf32, #tpu.memory_space<vmem>>, vector<1x128xf32>
    %get3A_44 = vector.shape_cast %get3A_43 : vector<1x128xf32> to vector<128xf32>
    %broadcast_in_dim3A_45 = vector.shape_cast %get3A_44 : vector<128xf32> to vector<1x128xf32>
    %add3A_46 = vector.broadcast %broadcast_in_dim3A_45 : vector<1x128xf32> to vector<2000x128xf32>
    %add3A_47 = arith.addf %dot_general3A_40, %add3A_46 : vector<2000x128xf32>
    %max3A_48 = arith.constant 0.000000e+00 : f32
    %max3A_49 = vector.broadcast %max3A_48 : f32 to vector<2000x128xf32>
    %max3A_50 = arith.maximumf %add3A_47, %max3A_49 : vector<2000x128xf32>
    %get3A_51 = arith.constant 1 : index
    %get3A_52 = arith.constant 0 : index
    %get3A_53 = arith.constant 0 : index
    %get3A_54 = vector.load %arg4[%get3A_51, %get3A_52, %get3A_53] : memref<4x128x128xf32, #tpu.memory_space<vmem>>, vector<1x128x128xf32>
    %get3A_55 = vector.shape_cast %get3A_54 : vector<1x128x128xf32> to vector<128x128xf32>
    %dot_general3A_56 = arith.constant dense<0.000000e+00> : vector<2000x128xf32>
    %dot_general3A_57 = tpu.matmul %max3A_50, %get3A_55, %dot_general3A_56 {dimension_numbers = #tpu.dot_dimension_numbers<[1], [0], [0], [1], [0, 0, 1, 1], [], []>, transpose_lhs_hint = false} : vector<2000x128xf32>, vector<128x128xf32>, vector<2000x128xf32> -> vector<2000x128xf32>
    %get3A_58 = arith.constant 1 : index
    %get3A_59 = arith.constant 0 : index
    %get3A_60 = vector.load %arg5[%get3A_58, %get3A_59] : memref<4x128xf32, #tpu.memory_space<vmem>>, vector<1x128xf32>
    %get3A_61 = vector.shape_cast %get3A_60 : vector<1x128xf32> to vector<128xf32>
    %broadcast_in_dim3A_62 = vector.shape_cast %get3A_61 : vector<128xf32> to vector<1x128xf32>
    %add3A_63 = vector.broadcast %broadcast_in_dim3A_62 : vector<1x128xf32> to vector<2000x128xf32>
    %add3A_64 = arith.addf %dot_general3A_57, %add3A_63 : vector<2000x128xf32>
    %swap3A_65 = arith.constant 1 : index
    %swap3A_66 = arith.constant 0 : index
    %swap3A_67 = arith.constant 0 : index
    %swap3A_68 = vector.load %arg6[%swap3A_65, %swap3A_66, %swap3A_67] : memref<4x2000x128xf32, #tpu.memory_space<vmem>>, vector<1x2000x128xf32>
    %swap3A_69 = vector.shape_cast %swap3A_68 : vector<1x2000x128xf32> to vector<2000x128xf32>
    %swap3A_70 = vector.shape_cast %add3A_64 : vector<2000x128xf32> to vector<1x2000x128xf32>
    tpu.vector_store %arg6[%swap3A_65, %swap3A_66, %swap3A_67], %swap3A_70 {strides = array<i32>} : memref<4x2000x128xf32, #tpu.memory_space<vmem>>, vector<1x2000x128xf32>,
    %get3A_71 = arith.constant 2 : index
    %get3A_72 = arith.constant 0 : index
    %get3A_73 = arith.constant 0 : index
    %get3A_74 = vector.load %arg2[%get3A_71, %get3A_72, %get3A_73] : memref<4x128x128xf32, #tpu.memory_space<vmem>>, vector<1x128x128xf32>
    %get3A_75 = vector.shape_cast %get3A_74 : vector<1x128x128xf32> to vector<128x128xf32>
    %dot_general3A_76 = arith.constant dense<0.000000e+00> : vector<2000x128xf32>
    %dot_general3A_77 = tpu.matmul %get3A_1, %get3A_75, %dot_general3A_76 {dimension_numbers = #tpu.dot_dimension_numbers<[1], [0], [0], [1], [0, 0, 1, 1], [], []>, transpose_lhs_hint = false} : vector<2000x128xf32>, vector<128x128xf32>, vector<2000x128xf32> -> vector<2000x128xf32>
    %get3A_78 = arith.constant 2 : index
    %get3A_79 = arith.constant 0 : index
    %get3A_80 = vector.load %arg3[%get3A_78, %get3A_79] : memref<4x128xf32, #tpu.memory_space<vmem>>, vector<1x128xf32>
    %get3A_81 = vector.shape_cast %get3A_80 : vector<1x128xf32> to vector<128xf32>
    %broadcast_in_dim3A_82 = vector.shape_cast %get3A_81 : vector<128xf32> to vector<1x128xf32>
    %add3A_83 = vector.broadcast %broadcast_in_dim3A_82 : vector<1x128xf32> to vector<2000x128xf32>
    %add3A_84 = arith.addf %dot_general3A_77, %add3A_83 : vector<2000x128xf32>
    %max3A_85 = arith.constant 0.000000e+00 : f32
    %max3A_86 = vector.broadcast %max3A_85 : f32 to vector<2000x128xf32>
    %max3A_87 = arith.maximumf %add3A_84, %max3A_86 : vector<2000x128xf32>
    %get3A_88 = arith.constant 2 : index
    %get3A_89 = arith.constant 0 : index
    %get3A_90 = arith.constant 0 : index
    %get3A_91 = vector.load %arg4[%get3A_88, %get3A_89, %get3A_90] : memref<4x128x128xf32, #tpu.memory_space<vmem>>, vector<1x128x128xf32>
    %get3A_92 = vector.shape_cast %get3A_91 : vector<1x128x128xf32> to vector<128x128xf32>
    %dot_general3A_93 = arith.constant dense<0.000000e+00> : vector<2000x128xf32>
    %dot_general3A_94 = tpu.matmul %max3A_87, %get3A_92, %dot_general3A_93 {dimension_numbers = #tpu.dot_dimension_numbers<[1], [0], [0], [1], [0, 0, 1, 1], [], []>, transpose_lhs_hint = false} : vector<2000x128xf32>, vector<128x128xf32>, vector<2000x128xf32> -> vector<2000x128xf32>
    %get3A_95 = arith.constant 2 : index
    %get3A_96 = arith.constant 0 : index
    %get3A_97 = vector.load %arg5[%get3A_95, %get3A_96] : memref<4x128xf32, #tpu.memory_space<vmem>>, vector<1x128xf32>
    %get3A_98 = vector.shape_cast %get3A_97 : vector<1x128xf32> to vector<128xf32>
    %broadcast_in_dim3A_99 = vector.shape_cast %get3A_98 : vector<128xf32> to vector<1x128xf32>
    %add3A_100 = vector.broadcast %broadcast_in_dim3A_99 : vector<1x128xf32> to vector<2000x128xf32>
    %add3A_101 = arith.addf %dot_general3A_94, %add3A_100 : vector<2000x128xf32>
    %swap3A_102 = arith.constant 2 : index
    %swap3A_103 = arith.constant 0 : index
    %swap3A_104 = arith.constant 0 : index
    %swap3A_105 = vector.load %arg6[%swap3A_102, %swap3A_103, %swap3A_104] : memref<4x2000x128xf32, #tpu.memory_space<vmem>>, vector<1x2000x128xf32>
    %swap3A_106 = vector.shape_cast %swap3A_105 : vector<1x2000x128xf32> to vector<2000x128xf32>
    %swap3A_107 = vector.shape_cast %add3A_101 : vector<2000x128xf32> to vector<1x2000x128xf32>
    tpu.vector_store %arg6[%swap3A_102, %swap3A_103, %swap3A_104], %swap3A_107 {strides = array<i32>} : memref<4x2000x128xf32, #tpu.memory_space<vmem>>, vector<1x2000x128xf32>,
    %get3A_108 = arith.constant 3 : index
    %get3A_109 = arith.constant 0 : index
    %get3A_110 = arith.constant 0 : index
    %get3A_111 = vector.load %arg2[%get3A_108, %get3A_109, %get3A_110] : memref<4x128x128xf32, #tpu.memory_space<vmem>>, vector<1x128x128xf32>
    %get3A_112 = vector.shape_cast %get3A_111 : vector<1x128x128xf32> to vector<128x128xf32>
    %dot_general3A_113 = arith.constant dense<0.000000e+00> : vector<2000x128xf32>
    %dot_general3A_114 = tpu.matmul %get3A_1, %get3A_112, %dot_general3A_113 {dimension_numbers = #tpu.dot_dimension_numbers<[1], [0], [0], [1], [0, 0, 1, 1], [], []>, transpose_lhs_hint = false} : vector<2000x128xf32>, vector<128x128xf32>, vector<2000x128xf32> -> vector<2000x128xf32>
    %get3A_115 = arith.constant 3 : index
    %get3A_116 = arith.constant 0 : index
    %get3A_117 = vector.load %arg3[%get3A_115, %get3A_116] : memref<4x128xf32, #tpu.memory_space<vmem>>, vector<1x128xf32>
    %get3A_118 = vector.shape_cast %get3A_117 : vector<1x128xf32> to vector<128xf32>
    %broadcast_in_dim3A_119 = vector.shape_cast %get3A_118 : vector<128xf32> to vector<1x128xf32>
    %add3A_120 = vector.broadcast %broadcast_in_dim3A_119 : vector<1x128xf32> to vector<2000x128xf32>
    %add3A_121 = arith.addf %dot_general3A_114, %add3A_120 : vector<2000x128xf32>
    %max3A_122 = arith.constant 0.000000e+00 : f32
    %max3A_123 = vector.broadcast %max3A_122 : f32 to vector<2000x128xf32>
    %max3A_124 = arith.maximumf %add3A_121, %max3A_123 : vector<2000x128xf32>
    %get3A_125 = arith.constant 3 : index
    %get3A_126 = arith.constant 0 : index
    %get3A_127 = arith.constant 0 : index
    %get3A_128 = vector.load %arg4[%get3A_125, %get3A_126, %get3A_127] : memref<4x128x128xf32, #tpu.memory_space<vmem>>, vector<1x128x128xf32>
    %get3A_129 = vector.shape_cast %get3A_128 : vector<1x128x128xf32> to vector<128x128xf32>
    %dot_general3A_130 = arith.constant dense<0.000000e+00> : vector<2000x128xf32>
    %dot_general3A_131 = tpu.matmul %max3A_124, %get3A_129, %dot_general3A_130 {dimension_numbers = #tpu.dot_dimension_numbers<[1], [0], [0], [1], [0, 0, 1, 1], [], []>, transpose_lhs_hint = false} : vector<2000x128xf32>, vector<128x128xf32>, vector<2000x128xf32> -> vector<2000x128xf32>
    %get3A_132 = arith.constant 3 : index
    %get3A_133 = arith.constant 0 : index
    %get3A_134 = vector.load %arg5[%get3A_132, %get3A_133] : memref<4x128xf32, #tpu.memory_space<vmem>>, vector<1x128xf32>
    %get3A_135 = vector.shape_cast %get3A_134 : vector<1x128xf32> to vector<128xf32>
    %broadcast_in_dim3A_136 = vector.shape_cast %get3A_135 : vector<128xf32> to vector<1x128xf32>
    %add3A_137 = vector.broadcast %broadcast_in_dim3A_136 : vector<1x128xf32> to vector<2000x128xf32>
    %add3A_138 = arith.addf %dot_general3A_131, %add3A_137 : vector<2000x128xf32>
    %swap3A_139 = arith.constant 3 : index
    %swap3A_140 = arith.constant 0 : index
    %swap3A_141 = arith.constant 0 : index
    %swap3A_142 = vector.load %arg6[%swap3A_139, %swap3A_140, %swap3A_141] : memref<4x2000x128xf32, #tpu.memory_space<vmem>>, vector<1x2000x128xf32>
    %swap3A_143 = vector.shape_cast %swap3A_142 : vector<1x2000x128xf32> to vector<2000x128xf32>
    %swap3A_144 = vector.shape_cast %add3A_138 : vector<2000x128xf32> to vector<1x2000x128xf32>
    tpu.vector_store %arg6[%swap3A_139, %swap3A_140, %swap3A_141], %swap3A_144 {strides = array<i32>} : memref<4x2000x128xf32, #tpu.memory_space<vmem>>, vector<1x2000x128xf32>,
    return
  }
  func.func @transform_0(%arg0: i32) -> (i32, i32) {
    %c0_i32 = arith.constant 0 : i32
    %c0_i32_0 = arith.constant 0 : i32
    return %arg0, %c0_i32 : i32, i32
  }
  func.func @transform_1(%arg0: i32) -> (i32, i32, i32) {
    %c0_i32 = arith.constant 0 : i32
    %c0_i32_0 = arith.constant 0 : i32
    %c0_i32_1 = arith.constant 0 : i32
    %c0_i32_2 = arith.constant 0 : i32
    return %c0_i32, %c0_i32_0, %c0_i32_1 : i32, i32, i32
  }
  func.func @transform_2(%arg0: i32) -> (i32, i32) {
    %c0_i32 = arith.constant 0 : i32
    %c0_i32_0 = arith.constant 0 : i32
    %c0_i32_1 = arith.constant 0 : i32
    return %c0_i32, %c0_i32_0 : i32, i32
  }
  func.func @transform_3(%arg0: i32) -> (i32, i32, i32) {
    %c0_i32 = arith.constant 0 : i32
    %c0_i32_0 = arith.constant 0 : i32
    %c0_i32_1 = arith.constant 0 : i32
    %c0_i32_2 = arith.constant 0 : i32
    return %c0_i32, %c0_i32_0, %c0_i32_1 : i32, i32, i32
  }
  func.func @transform_4(%arg0: i32) -> (i32, i32) {
    %c0_i32 = arith.constant 0 : i32
    %c0_i32_0 = arith.constant 0 : i32
    %c0_i32_1 = arith.constant 0 : i32
    return %c0_i32, %c0_i32_0 : i32, i32
  }
  func.func @transform_5(%arg0: i32) -> (i32, i32, i32) {
    %c0_i32 = arith.constant 0 : i32
    %c0_i32_0 = arith.constant 0 : i32
    %c0_i32_1 = arith.constant 0 : i32
    return %c0_i32, %arg0, %c0_i32_0 : i32, i32, i32
  }
}

module attributes {stable_mosaic.version = 14 : i64} {
  func.func @_prep_body(%arg0: i32, %arg1: memref<512x128xi32, #tpu.memory_space<vmem>>, %arg2: memref<512x128xi32, #tpu.memory_space<vmem>>, %arg3: memref<512x128xi32, #tpu.memory_space<vmem>>, %arg4: memref<512x128xi32, #tpu.memory_space<vmem>>, %arg5: memref<512x128xi32, #tpu.memory_space<vmem>>) attributes {dimension_semantics = [#tpu.dimension_semantics<arbitrary>], iteration_bounds = array<i64: 5>, scalar_prefetch = 0 : i64, scratch_operands = 0 : i64, tpu.core_type = #tpu.core_type<tc>, window_params = [{transform_indices = @transform_0, window_bounds = array<i64: 512, 128>}, {transform_indices = @transform_1, window_bounds = array<i64: 512, 128>}, {transform_indices = @transform_2, window_bounds = array<i64: 512, 128>}, {transform_indices = @transform_3, window_bounds = array<i64: 512, 128>}, {transform_indices = @transform_4, window_bounds = array<i64: 512, 128>}]} {
    %iota3A = tpu.iota {dimensions = array<i32: 0>} : vector<512x128xi32>
    %iota3A_0 = tpu.iota {dimensions = array<i32: 1>} : vector<512x128xi32>
    %mul3A = arith.constant 512 : i32
    %mul3A_1 = arith.muli %arg0, %mul3A : i32
    %add3A = vector.broadcast %mul3A_1 : i32 to vector<512x128xi32>
    %add3A_2 = arith.addi %add3A, %iota3A : vector<512x128xi32>
    %mul3A_3 = arith.constant 128 : i32
    %mul3A_4 = vector.broadcast %mul3A_3 : i32 to vector<512x128xi32>
    %mul3A_5 = arith.muli %add3A_2, %mul3A_4 : vector<512x128xi32>
    %add3A_6 = arith.addi %mul3A_5, %iota3A_0 : vector<512x128xi32>
    %lt3A = arith.constant 320000 : i32
    %lt3A_7 = vector.broadcast %lt3A : i32 to vector<512x128xi32>
    %lt3A_8 = arith.cmpi slt, %add3A_6, %lt3A_7 : vector<512x128xi32>
    %get3A = arith.constant 0 : index
    %get3A_9 = arith.constant 0 : index
    %get3A_10 = vector.load %arg2[%get3A, %get3A_9] : memref<512x128xi32, #tpu.memory_space<vmem>>, vector<512x128xi32>
    %mul3A_11 = arith.constant 10000 : i32
    %mul3A_12 = vector.broadcast %mul3A_11 : i32 to vector<512x128xi32>
    %mul3A_13 = arith.muli %get3A_10, %mul3A_12 : vector<512x128xi32>
    %get3A_14 = arith.constant 0 : index
    %get3A_15 = arith.constant 0 : index
    %get3A_16 = vector.load %arg1[%get3A_14, %get3A_15] : memref<512x128xi32, #tpu.memory_space<vmem>>, vector<512x128xi32>
    %add3A_17 = arith.addi %mul3A_13, %get3A_16 : vector<512x128xi32>
    %jit3A = arith.constant 10000 : i32
    %eq3A = arith.constant 0 : i32
    %eq3A_18 = arith.cmpi eq, %jit3A, %eq3A : i32
    %jit3A_19 = arith.constant 1 : i32
    %select_n3A = arith.select %eq3A_18, %jit3A_19, %jit3A : i32
    %rem3A = vector.broadcast %select_n3A : i32 to vector<512x128xi32>
    %rem3A_20 = arith.remsi %add3A_6, %rem3A : vector<512x128xi32>
    %ne3A = arith.constant 0 : i32
    %ne3A_21 = vector.broadcast %ne3A : i32 to vector<512x128xi32>
    %ne3A_22 = arith.cmpi ne, %rem3A_20, %ne3A_21 : vector<512x128xi32>
    %lt3A_23 = arith.constant 0 : i32
    %lt3A_24 = vector.broadcast %lt3A_23 : i32 to vector<512x128xi32>
    %lt3A_25 = arith.cmpi slt, %rem3A_20, %lt3A_24 : vector<512x128xi32>
    %lt3A_26 = arith.constant 0 : i32
    %lt3A_27 = arith.cmpi slt, %select_n3A, %lt3A_26 : i32
    %ne3A_28 = vector.broadcast %lt3A_27 : i1 to vector<512x128xi1>
    %ne3A_29 = vector.broadcast %ne3A_28 : vector<512x128xi1> to vector<512x128xi1>
    %ne3A_30 = arith.xori %lt3A_25, %ne3A_29 : vector<512x128xi1>
    %and3A = arith.andi %ne3A_30, %ne3A_22 : vector<512x128xi1>
    %add3A_31 = vector.broadcast %select_n3A : i32 to vector<512x128xi32>
    %add3A_32 = arith.addi %rem3A_20, %add3A_31 : vector<512x128xi32>
    %select_n3A_33 = arith.select %and3A, %add3A_32, %rem3A_20 : vector<512x128xi1>, vector<512x128xi32>
    %select_n3A_34 = arith.select %lt3A_8, %add3A_17, %select_n3A_33 : vector<512x128xi1>, vector<512x128xi32>
    %swap3A = arith.constant 0 : index
    %swap3A_35 = arith.constant 0 : index
    %swap3A_36 = vector.load %arg4[%swap3A, %swap3A_35] : memref<512x128xi32, #tpu.memory_space<vmem>>, vector<512x128xi32>
    tpu.vector_store %arg4[%swap3A, %swap3A_35], %select_n3A_34 {strides = array<i32>} : memref<512x128xi32, #tpu.memory_space<vmem>>, vector<512x128xi32>,
    %get3A_37 = arith.constant 0 : index
    %get3A_38 = arith.constant 0 : index
    %get3A_39 = vector.load %arg3[%get3A_37, %get3A_38] : memref<512x128xi32, #tpu.memory_space<vmem>>, vector<512x128xi32>
    %jit3A_40 = arith.constant 112 : i32
    %eq3A_41 = arith.constant 0 : i32
    %eq3A_42 = arith.cmpi eq, %jit3A_40, %eq3A_41 : i32
    %jit3A_43 = arith.constant 1 : i32
    %select_n3A_44 = arith.select %eq3A_42, %jit3A_43, %jit3A_40 : i32
    %rem3A_45 = vector.broadcast %select_n3A_44 : i32 to vector<512x128xi32>
    %rem3A_46 = arith.remsi %add3A_6, %rem3A_45 : vector<512x128xi32>
    %ne3A_47 = arith.constant 0 : i32
    %ne3A_48 = vector.broadcast %ne3A_47 : i32 to vector<512x128xi32>
    %ne3A_49 = arith.cmpi ne, %rem3A_46, %ne3A_48 : vector<512x128xi32>
    %lt3A_50 = arith.constant 0 : i32
    %lt3A_51 = vector.broadcast %lt3A_50 : i32 to vector<512x128xi32>
    %lt3A_52 = arith.cmpi slt, %rem3A_46, %lt3A_51 : vector<512x128xi32>
    %lt3A_53 = arith.constant 0 : i32
    %lt3A_54 = arith.cmpi slt, %select_n3A_44, %lt3A_53 : i32
    %ne3A_55 = vector.broadcast %lt3A_54 : i1 to vector<512x128xi1>
    %ne3A_56 = vector.broadcast %ne3A_55 : vector<512x128xi1> to vector<512x128xi1>
    %ne3A_57 = arith.xori %lt3A_52, %ne3A_56 : vector<512x128xi1>
    %and3A_58 = arith.andi %ne3A_57, %ne3A_49 : vector<512x128xi1>
    %add3A_59 = vector.broadcast %select_n3A_44 : i32 to vector<512x128xi32>
    %add3A_60 = arith.addi %rem3A_46, %add3A_59 : vector<512x128xi32>
    %select_n3A_61 = arith.select %and3A_58, %add3A_60, %rem3A_46 : vector<512x128xi1>, vector<512x128xi32>
    %add3A_62 = arith.constant 10000 : i32
    %add3A_63 = vector.broadcast %add3A_62 : i32 to vector<512x128xi32>
    %add3A_64 = arith.addi %add3A_63, %select_n3A_61 : vector<512x128xi32>
    %select_n3A_65 = arith.select %lt3A_8, %get3A_39, %add3A_64 : vector<512x128xi1>, vector<512x128xi32>
    %swap3A_66 = arith.constant 0 : index
    %swap3A_67 = arith.constant 0 : index
    %swap3A_68 = vector.load %arg5[%swap3A_66, %swap3A_67] : memref<512x128xi32, #tpu.memory_space<vmem>>, vector<512x128xi32>
    tpu.vector_store %arg5[%swap3A_66, %swap3A_67], %select_n3A_65 {strides = array<i32>} : memref<512x128xi32, #tpu.memory_space<vmem>>, vector<512x128xi32>,
    return
  }
  func.func @transform_0(%arg0: i32) -> (i32, i32) {
    %c0_i32 = arith.constant 0 : i32
    %c0_i32_0 = arith.constant 0 : i32
    return %arg0, %c0_i32 : i32, i32
  }
  func.func @transform_1(%arg0: i32) -> (i32, i32) {
    %c0_i32 = arith.constant 0 : i32
    %c0_i32_0 = arith.constant 0 : i32
    return %arg0, %c0_i32 : i32, i32
  }
  func.func @transform_2(%arg0: i32) -> (i32, i32) {
    %c0_i32 = arith.constant 0 : i32
    %c0_i32_0 = arith.constant 0 : i32
    return %arg0, %c0_i32 : i32, i32
  }
  func.func @transform_3(%arg0: i32) -> (i32, i32) {
    %c0_i32 = arith.constant 0 : i32
    %c0_i32_0 = arith.constant 0 : i32
    return %arg0, %c0_i32 : i32, i32
  }
  func.func @transform_4(%arg0: i32) -> (i32, i32) {
    %c0_i32 = arith.constant 0 : i32
    %c0_i32_0 = arith.constant 0 : i32
    return %arg0, %c0_i32 : i32, i32
  }
}

module attributes {stable_mosaic.version = 14 : i64} {
  func.func @_update_body(%arg0: i32, %arg1: memref<2000x128xf32, #tpu.memory_space<vmem>>, %arg2: memref<2x2000x128xf32, #tpu.memory_space<vmem>>, %arg3: memref<2000x1xi32, #tpu.memory_space<vmem>>, %arg4: memref<2x256x128xf32, #tpu.memory_space<vmem>>, %arg5: memref<2x128xf32, #tpu.memory_space<vmem>>, %arg6: memref<2x128x128xf32, #tpu.memory_space<vmem>>, %arg7: memref<2x128xf32, #tpu.memory_space<vmem>>, %arg8: memref<2000x128xf32, #tpu.memory_space<vmem>>) attributes {dimension_semantics = [#tpu.dimension_semantics<arbitrary>], iteration_bounds = array<i64: 5>, scalar_prefetch = 0 : i64, scratch_operands = 0 : i64, tpu.core_type = #tpu.core_type<tc>, window_params = [{transform_indices = @transform_0, window_bounds = array<i64: 2000, 128>}, {transform_indices = @transform_1, window_bounds = array<i64: 2, 2000, 128>}, {transform_indices = @transform_2, window_bounds = array<i64: 2000, 1>}, {pipeline_mode = #tpu.pipeline_mode<synchronous>, transform_indices = @transform_3, window_bounds = array<i64: 2, 256, 128>}, {pipeline_mode = #tpu.pipeline_mode<synchronous>, transform_indices = @transform_4, window_bounds = array<i64: 2, 128>}, {pipeline_mode = #tpu.pipeline_mode<synchronous>, transform_indices = @transform_5, window_bounds = array<i64: 2, 128, 128>}, {pipeline_mode = #tpu.pipeline_mode<synchronous>, transform_indices = @transform_6, window_bounds = array<i64: 2, 128>}, {transform_indices = @transform_7, window_bounds = array<i64: 2000, 128>}]} {
    %get3A = arith.constant 0 : index
    %get3A_0 = arith.constant 0 : index
    %get3A_1 = vector.load %arg1[%get3A, %get3A_0] : memref<2000x128xf32, #tpu.memory_space<vmem>>, vector<2000x128xf32>
    %get3A_2 = arith.constant 0 : index
    %get3A_3 = arith.constant 0 : index
    %get3A_4 = arith.constant 0 : index
    %get3A_5 = vector.load %arg2[%get3A_2, %get3A_3, %get3A_4] : memref<2x2000x128xf32, #tpu.memory_space<vmem>>, vector<1x2000x128xf32>
    %get3A_6 = vector.shape_cast %get3A_5 : vector<1x2000x128xf32> to vector<2000x128xf32>
    %get3A_7 = arith.constant 1 : index
    %get3A_8 = arith.constant 0 : index
    %get3A_9 = arith.constant 0 : index
    %get3A_10 = vector.load %arg2[%get3A_7, %get3A_8, %get3A_9] : memref<2x2000x128xf32, #tpu.memory_space<vmem>>, vector<1x2000x128xf32>
    %get3A_11 = vector.shape_cast %get3A_10 : vector<1x2000x128xf32> to vector<2000x128xf32>
    %add3A = arith.addf %get3A_6, %get3A_11 : vector<2000x128xf32>
    %concatenate3A = tpu.concatenate %get3A_1, %add3A in 1 : vector<2000x128xf32>, vector<2000x128xf32> -> vector<2000x256xf32>
    %get3A_12 = arith.constant 0 : index
    %get3A_13 = arith.constant 0 : index
    %get3A_14 = vector.load %arg3[%get3A_12, %get3A_13] : memref<2000x1xi32, #tpu.memory_space<vmem>>, vector<2000x1xi32>
    %get3A_15 = arith.constant 0 : index
    %get3A_16 = arith.constant 0 : index
    %get3A_17 = arith.constant 0 : index
    %get3A_18 = vector.load %arg4[%get3A_15, %get3A_16, %get3A_17] : memref<2x256x128xf32, #tpu.memory_space<vmem>>, vector<1x256x128xf32>
    %get3A_19 = vector.shape_cast %get3A_18 : vector<1x256x128xf32> to vector<256x128xf32>
    %dot_general3A = arith.constant dense<0.000000e+00> : vector<2000x128xf32>
    %dot_general3A_20 = tpu.matmul %concatenate3A, %get3A_19, %dot_general3A {dimension_numbers = #tpu.dot_dimension_numbers<[1], [0], [0], [1], [0, 0, 1, 1], [], []>, transpose_lhs_hint = false} : vector<2000x256xf32>, vector<256x128xf32>, vector<2000x128xf32> -> vector<2000x128xf32>
    %get3A_21 = arith.constant 0 : index
    %get3A_22 = arith.constant 0 : index
    %get3A_23 = vector.load %arg5[%get3A_21, %get3A_22] : memref<2x128xf32, #tpu.memory_space<vmem>>, vector<1x128xf32>
    %get3A_24 = vector.shape_cast %get3A_23 : vector<1x128xf32> to vector<128xf32>
    %broadcast_in_dim3A = vector.shape_cast %get3A_24 : vector<128xf32> to vector<1x128xf32>
    %add3A_25 = vector.broadcast %broadcast_in_dim3A : vector<1x128xf32> to vector<2000x128xf32>
    %add3A_26 = arith.addf %dot_general3A_20, %add3A_25 : vector<2000x128xf32>
    %max3A = arith.constant 0.000000e+00 : f32
    %max3A_27 = vector.broadcast %max3A : f32 to vector<2000x128xf32>
    %max3A_28 = arith.maximumf %add3A_26, %max3A_27 : vector<2000x128xf32>
    %get3A_29 = arith.constant 0 : index
    %get3A_30 = arith.constant 0 : index
    %get3A_31 = arith.constant 0 : index
    %get3A_32 = vector.load %arg6[%get3A_29, %get3A_30, %get3A_31] : memref<2x128x128xf32, #tpu.memory_space<vmem>>, vector<1x128x128xf32>
    %get3A_33 = vector.shape_cast %get3A_32 : vector<1x128x128xf32> to vector<128x128xf32>
    %dot_general3A_34 = arith.constant dense<0.000000e+00> : vector<2000x128xf32>
    %dot_general3A_35 = tpu.matmul %max3A_28, %get3A_33, %dot_general3A_34 {dimension_numbers = #tpu.dot_dimension_numbers<[1], [0], [0], [1], [0, 0, 1, 1], [], []>, transpose_lhs_hint = false} : vector<2000x128xf32>, vector<128x128xf32>, vector<2000x128xf32> -> vector<2000x128xf32>
    %get3A_36 = arith.constant 0 : index
    %get3A_37 = arith.constant 0 : index
    %get3A_38 = vector.load %arg7[%get3A_36, %get3A_37] : memref<2x128xf32, #tpu.memory_space<vmem>>, vector<1x128xf32>
    %get3A_39 = vector.shape_cast %get3A_38 : vector<1x128xf32> to vector<128xf32>
    %broadcast_in_dim3A_40 = vector.shape_cast %get3A_39 : vector<128xf32> to vector<1x128xf32>
    %add3A_41 = vector.broadcast %broadcast_in_dim3A_40 : vector<1x128xf32> to vector<2000x128xf32>
    %add3A_42 = arith.addf %dot_general3A_35, %add3A_41 : vector<2000x128xf32>
    %eq3A = arith.constant 0 : i32
    %eq3A_43 = vector.broadcast %eq3A : i32 to vector<2000x1xi32>
    %eq3A_44 = arith.cmpi eq, %get3A_14, %eq3A_43 : vector<2000x1xi32>
    %broadcast_in_dim3A_45 = vector.shape_cast %eq3A_44 : vector<2000x1xi1> to vector<2000x1xi1>
    %broadcast_in_dim3A_46 = vector.broadcast %broadcast_in_dim3A_45 : vector<2000x1xi1> to vector<2000x128xi1>
    %select_n3A = arith.select %broadcast_in_dim3A_46, %add3A_42, %get3A_1 : vector<2000x128xi1>, vector<2000x128xf32>
    %get3A_47 = arith.constant 1 : index
    %get3A_48 = arith.constant 0 : index
    %get3A_49 = arith.constant 0 : index
    %get3A_50 = vector.load %arg4[%get3A_47, %get3A_48, %get3A_49] : memref<2x256x128xf32, #tpu.memory_space<vmem>>, vector<1x256x128xf32>
    %get3A_51 = vector.shape_cast %get3A_50 : vector<1x256x128xf32> to vector<256x128xf32>
    %dot_general3A_52 = arith.constant dense<0.000000e+00> : vector<2000x128xf32>
    %dot_general3A_53 = tpu.matmul %concatenate3A, %get3A_51, %dot_general3A_52 {dimension_numbers = #tpu.dot_dimension_numbers<[1], [0], [0], [1], [0, 0, 1, 1], [], []>, transpose_lhs_hint = false} : vector<2000x256xf32>, vector<256x128xf32>, vector<2000x128xf32> -> vector<2000x128xf32>
    %get3A_54 = arith.constant 1 : index
    %get3A_55 = arith.constant 0 : index
    %get3A_56 = vector.load %arg5[%get3A_54, %get3A_55] : memref<2x128xf32, #tpu.memory_space<vmem>>, vector<1x128xf32>
    %get3A_57 = vector.shape_cast %get3A_56 : vector<1x128xf32> to vector<128xf32>
    %broadcast_in_dim3A_58 = vector.shape_cast %get3A_57 : vector<128xf32> to vector<1x128xf32>
    %add3A_59 = vector.broadcast %broadcast_in_dim3A_58 : vector<1x128xf32> to vector<2000x128xf32>
    %add3A_60 = arith.addf %dot_general3A_53, %add3A_59 : vector<2000x128xf32>
    %max3A_61 = arith.constant 0.000000e+00 : f32
    %max3A_62 = vector.broadcast %max3A_61 : f32 to vector<2000x128xf32>
    %max3A_63 = arith.maximumf %add3A_60, %max3A_62 : vector<2000x128xf32>
    %get3A_64 = arith.constant 1 : index
    %get3A_65 = arith.constant 0 : index
    %get3A_66 = arith.constant 0 : index
    %get3A_67 = vector.load %arg6[%get3A_64, %get3A_65, %get3A_66] : memref<2x128x128xf32, #tpu.memory_space<vmem>>, vector<1x128x128xf32>
    %get3A_68 = vector.shape_cast %get3A_67 : vector<1x128x128xf32> to vector<128x128xf32>
    %dot_general3A_69 = arith.constant dense<0.000000e+00> : vector<2000x128xf32>
    %dot_general3A_70 = tpu.matmul %max3A_63, %get3A_68, %dot_general3A_69 {dimension_numbers = #tpu.dot_dimension_numbers<[1], [0], [0], [1], [0, 0, 1, 1], [], []>, transpose_lhs_hint = false} : vector<2000x128xf32>, vector<128x128xf32>, vector<2000x128xf32> -> vector<2000x128xf32>
    %get3A_71 = arith.constant 1 : index
    %get3A_72 = arith.constant 0 : index
    %get3A_73 = vector.load %arg7[%get3A_71, %get3A_72] : memref<2x128xf32, #tpu.memory_space<vmem>>, vector<1x128xf32>
    %get3A_74 = vector.shape_cast %get3A_73 : vector<1x128xf32> to vector<128xf32>
    %broadcast_in_dim3A_75 = vector.shape_cast %get3A_74 : vector<128xf32> to vector<1x128xf32>
    %add3A_76 = vector.broadcast %broadcast_in_dim3A_75 : vector<1x128xf32> to vector<2000x128xf32>
    %add3A_77 = arith.addf %dot_general3A_70, %add3A_76 : vector<2000x128xf32>
    %eq3A_78 = arith.constant 1 : i32
    %eq3A_79 = vector.broadcast %eq3A_78 : i32 to vector<2000x1xi32>
    %eq3A_80 = arith.cmpi eq, %get3A_14, %eq3A_79 : vector<2000x1xi32>
    %broadcast_in_dim3A_81 = vector.shape_cast %eq3A_80 : vector<2000x1xi1> to vector<2000x1xi1>
    %broadcast_in_dim3A_82 = vector.broadcast %broadcast_in_dim3A_81 : vector<2000x1xi1> to vector<2000x128xi1>
    %select_n3A_83 = arith.select %broadcast_in_dim3A_82, %add3A_77, %select_n3A : vector<2000x128xi1>, vector<2000x128xf32>
    %swap3A = arith.constant 0 : index
    %swap3A_84 = arith.constant 0 : index
    %swap3A_85 = vector.load %arg8[%swap3A, %swap3A_84] : memref<2000x128xf32, #tpu.memory_space<vmem>>, vector<2000x128xf32>
    tpu.vector_store %arg8[%swap3A, %swap3A_84], %select_n3A_83 {strides = array<i32>} : memref<2000x128xf32, #tpu.memory_space<vmem>>, vector<2000x128xf32>,
    return
  }
  func.func @transform_0(%arg0: i32) -> (i32, i32) {
    %c0_i32 = arith.constant 0 : i32
    %c0_i32_0 = arith.constant 0 : i32
    return %arg0, %c0_i32 : i32, i32
  }
  func.func @transform_1(%arg0: i32) -> (i32, i32, i32) {
    %c0_i32 = arith.constant 0 : i32
    %c0_i32_0 = arith.constant 0 : i32
    %c0_i32_1 = arith.constant 0 : i32
    return %c0_i32, %arg0, %c0_i32_0 : i32, i32, i32
  }
  func.func @transform_2(%arg0: i32) -> (i32, i32) {
    %c0_i32 = arith.constant 0 : i32
    %c0_i32_0 = arith.constant 0 : i32
    return %arg0, %c0_i32 : i32, i32
  }
  func.func @transform_3(%arg0: i32) -> (i32, i32, i32) {
    %c0_i32 = arith.constant 0 : i32
    %c0_i32_0 = arith.constant 0 : i32
    %c0_i32_1 = arith.constant 0 : i32
    %c0_i32_2 = arith.constant 0 : i32
    return %c0_i32, %c0_i32_0, %c0_i32_1 : i32, i32, i32
  }
  func.func @transform_4(%arg0: i32) -> (i32, i32) {
    %c0_i32 = arith.constant 0 : i32
    %c0_i32_0 = arith.constant 0 : i32
    %c0_i32_1 = arith.constant 0 : i32
    return %c0_i32, %c0_i32_0 : i32, i32
  }
  func.func @transform_5(%arg0: i32) -> (i32, i32, i32) {
    %c0_i32 = arith.constant 0 : i32
    %c0_i32_0 = arith.constant 0 : i32
    %c0_i32_1 = arith.constant 0 : i32
    %c0_i32_2 = arith.constant 0 : i32
    return %c0_i32, %c0_i32_0, %c0_i32_1 : i32, i32, i32
  }
  func.func @transform_6(%arg0: i32) -> (i32, i32) {
    %c0_i32 = arith.constant 0 : i32
    %c0_i32_0 = arith.constant 0 : i32
    %c0_i32_1 = arith.constant 0 : i32
    return %c0_i32, %c0_i32_0 : i32, i32
  }
  func.func @transform_7(%arg0: i32) -> (i32, i32) {
    %c0_i32 = arith.constant 0 : i32
    %c0_i32_0 = arith.constant 0 : i32
    return %arg0, %c0_i32 : i32, i32
  }
}

module attributes {stable_mosaic.version = 14 : i64} {
  func.func @_update_body(%arg0: i32, %arg1: memref<2000x128xf32, #tpu.memory_space<vmem>>, %arg2: memref<2x2000x128xf32, #tpu.memory_space<vmem>>, %arg3: memref<2000x1xi32, #tpu.memory_space<vmem>>, %arg4: memref<2x256x128xf32, #tpu.memory_space<vmem>>, %arg5: memref<2x128xf32, #tpu.memory_space<vmem>>, %arg6: memref<2x128x128xf32, #tpu.memory_space<vmem>>, %arg7: memref<2x128xf32, #tpu.memory_space<vmem>>, %arg8: memref<2000x128xf32, #tpu.memory_space<vmem>>) attributes {dimension_semantics = [#tpu.dimension_semantics<arbitrary>], iteration_bounds = array<i64: 5>, scalar_prefetch = 0 : i64, scratch_operands = 0 : i64, tpu.core_type = #tpu.core_type<tc>, window_params = [{transform_indices = @transform_0, window_bounds = array<i64: 2000, 128>}, {transform_indices = @transform_1, window_bounds = array<i64: 2, 2000, 128>}, {transform_indices = @transform_2, window_bounds = array<i64: 2000, 1>}, {pipeline_mode = #tpu.pipeline_mode<synchronous>, transform_indices = @transform_3, window_bounds = array<i64: 2, 256, 128>}, {pipeline_mode = #tpu.pipeline_mode<synchronous>, transform_indices = @transform_4, window_bounds = array<i64: 2, 128>}, {pipeline_mode = #tpu.pipeline_mode<synchronous>, transform_indices = @transform_5, window_bounds = array<i64: 2, 128, 128>}, {pipeline_mode = #tpu.pipeline_mode<synchronous>, transform_indices = @transform_6, window_bounds = array<i64: 2, 128>}, {transform_indices = @transform_7, window_bounds = array<i64: 2000, 128>}]} {
    %get3A = arith.constant 0 : index
    %get3A_0 = arith.constant 0 : index
    %get3A_1 = vector.load %arg1[%get3A, %get3A_0] : memref<2000x128xf32, #tpu.memory_space<vmem>>, vector<2000x128xf32>
    %get3A_2 = arith.constant 0 : index
    %get3A_3 = arith.constant 0 : index
    %get3A_4 = arith.constant 0 : index
    %get3A_5 = vector.load %arg2[%get3A_2, %get3A_3, %get3A_4] : memref<2x2000x128xf32, #tpu.memory_space<vmem>>, vector<1x2000x128xf32>
    %get3A_6 = vector.shape_cast %get3A_5 : vector<1x2000x128xf32> to vector<2000x128xf32>
    %get3A_7 = arith.constant 1 : index
    %get3A_8 = arith.constant 0 : index
    %get3A_9 = arith.constant 0 : index
    %get3A_10 = vector.load %arg2[%get3A_7, %get3A_8, %get3A_9] : memref<2x2000x128xf32, #tpu.memory_space<vmem>>, vector<1x2000x128xf32>
    %get3A_11 = vector.shape_cast %get3A_10 : vector<1x2000x128xf32> to vector<2000x128xf32>
    %add3A = arith.addf %get3A_6, %get3A_11 : vector<2000x128xf32>
    %concatenate3A = tpu.concatenate %get3A_1, %add3A in 1 : vector<2000x128xf32>, vector<2000x128xf32> -> vector<2000x256xf32>
    %get3A_12 = arith.constant 0 : index
    %get3A_13 = arith.constant 0 : index
    %get3A_14 = vector.load %arg3[%get3A_12, %get3A_13] : memref<2000x1xi32, #tpu.memory_space<vmem>>, vector<2000x1xi32>
    %get3A_15 = arith.constant 0 : index
    %get3A_16 = arith.constant 0 : index
    %get3A_17 = arith.constant 0 : index
    %get3A_18 = vector.load %arg4[%get3A_15, %get3A_16, %get3A_17] : memref<2x256x128xf32, #tpu.memory_space<vmem>>, vector<1x256x128xf32>
    %get3A_19 = vector.shape_cast %get3A_18 : vector<1x256x128xf32> to vector<256x128xf32>
    %dot_general3A = arith.constant dense<0.000000e+00> : vector<2000x128xf32>
    %dot_general3A_20 = tpu.matmul %concatenate3A, %get3A_19, %dot_general3A {dimension_numbers = #tpu.dot_dimension_numbers<[1], [0], [0], [1], [0, 0, 1, 1], [], []>, transpose_lhs_hint = false} : vector<2000x256xf32>, vector<256x128xf32>, vector<2000x128xf32> -> vector<2000x128xf32>
    %get3A_21 = arith.constant 0 : index
    %get3A_22 = arith.constant 0 : index
    %get3A_23 = vector.load %arg5[%get3A_21, %get3A_22] : memref<2x128xf32, #tpu.memory_space<vmem>>, vector<1x128xf32>
    %get3A_24 = vector.shape_cast %get3A_23 : vector<1x128xf32> to vector<128xf32>
    %broadcast_in_dim3A = vector.shape_cast %get3A_24 : vector<128xf32> to vector<1x128xf32>
    %add3A_25 = vector.broadcast %broadcast_in_dim3A : vector<1x128xf32> to vector<2000x128xf32>
    %add3A_26 = arith.addf %dot_general3A_20, %add3A_25 : vector<2000x128xf32>
    %max3A = arith.constant 0.000000e+00 : f32
    %max3A_27 = vector.broadcast %max3A : f32 to vector<2000x128xf32>
    %max3A_28 = arith.maximumf %add3A_26, %max3A_27 : vector<2000x128xf32>
    %get3A_29 = arith.constant 0 : index
    %get3A_30 = arith.constant 0 : index
    %get3A_31 = arith.constant 0 : index
    %get3A_32 = vector.load %arg6[%get3A_29, %get3A_30, %get3A_31] : memref<2x128x128xf32, #tpu.memory_space<vmem>>, vector<1x128x128xf32>
    %get3A_33 = vector.shape_cast %get3A_32 : vector<1x128x128xf32> to vector<128x128xf32>
    %dot_general3A_34 = arith.constant dense<0.000000e+00> : vector<2000x128xf32>
    %dot_general3A_35 = tpu.matmul %max3A_28, %get3A_33, %dot_general3A_34 {dimension_numbers = #tpu.dot_dimension_numbers<[1], [0], [0], [1], [0, 0, 1, 1], [], []>, transpose_lhs_hint = false} : vector<2000x128xf32>, vector<128x128xf32>, vector<2000x128xf32> -> vector<2000x128xf32>
    %get3A_36 = arith.constant 0 : index
    %get3A_37 = arith.constant 0 : index
    %get3A_38 = vector.load %arg7[%get3A_36, %get3A_37] : memref<2x128xf32, #tpu.memory_space<vmem>>, vector<1x128xf32>
    %get3A_39 = vector.shape_cast %get3A_38 : vector<1x128xf32> to vector<128xf32>
    %broadcast_in_dim3A_40 = vector.shape_cast %get3A_39 : vector<128xf32> to vector<1x128xf32>
    %add3A_41 = vector.broadcast %broadcast_in_dim3A_40 : vector<1x128xf32> to vector<2000x128xf32>
    %add3A_42 = arith.addf %dot_general3A_35, %add3A_41 : vector<2000x128xf32>
    %eq3A = arith.constant 0 : i32
    %eq3A_43 = vector.broadcast %eq3A : i32 to vector<2000x1xi32>
    %eq3A_44 = arith.cmpi eq, %get3A_14, %eq3A_43 : vector<2000x1xi32>
    %broadcast_in_dim3A_45 = vector.shape_cast %eq3A_44 : vector<2000x1xi1> to vector<2000x1xi1>
    %broadcast_in_dim3A_46 = vector.broadcast %broadcast_in_dim3A_45 : vector<2000x1xi1> to vector<2000x128xi1>
    %select_n3A = arith.select %broadcast_in_dim3A_46, %add3A_42, %get3A_1 : vector<2000x128xi1>, vector<2000x128xf32>
    %get3A_47 = arith.constant 1 : index
    %get3A_48 = arith.constant 0 : index
    %get3A_49 = arith.constant 0 : index
    %get3A_50 = vector.load %arg4[%get3A_47, %get3A_48, %get3A_49] : memref<2x256x128xf32, #tpu.memory_space<vmem>>, vector<1x256x128xf32>
    %get3A_51 = vector.shape_cast %get3A_50 : vector<1x256x128xf32> to vector<256x128xf32>
    %dot_general3A_52 = arith.constant dense<0.000000e+00> : vector<2000x128xf32>
    %dot_general3A_53 = tpu.matmul %concatenate3A, %get3A_51, %dot_general3A_52 {dimension_numbers = #tpu.dot_dimension_numbers<[1], [0], [0], [1], [0, 0, 1, 1], [], []>, transpose_lhs_hint = false} : vector<2000x256xf32>, vector<256x128xf32>, vector<2000x128xf32> -> vector<2000x128xf32>
    %get3A_54 = arith.constant 1 : index
    %get3A_55 = arith.constant 0 : index
    %get3A_56 = vector.load %arg5[%get3A_54, %get3A_55] : memref<2x128xf32, #tpu.memory_space<vmem>>, vector<1x128xf32>
    %get3A_57 = vector.shape_cast %get3A_56 : vector<1x128xf32> to vector<128xf32>
    %broadcast_in_dim3A_58 = vector.shape_cast %get3A_57 : vector<128xf32> to vector<1x128xf32>
    %add3A_59 = vector.broadcast %broadcast_in_dim3A_58 : vector<1x128xf32> to vector<2000x128xf32>
    %add3A_60 = arith.addf %dot_general3A_53, %add3A_59 : vector<2000x128xf32>
    %max3A_61 = arith.constant 0.000000e+00 : f32
    %max3A_62 = vector.broadcast %max3A_61 : f32 to vector<2000x128xf32>
    %max3A_63 = arith.maximumf %add3A_60, %max3A_62 : vector<2000x128xf32>
    %get3A_64 = arith.constant 1 : index
    %get3A_65 = arith.constant 0 : index
    %get3A_66 = arith.constant 0 : index
    %get3A_67 = vector.load %arg6[%get3A_64, %get3A_65, %get3A_66] : memref<2x128x128xf32, #tpu.memory_space<vmem>>, vector<1x128x128xf32>
    %get3A_68 = vector.shape_cast %get3A_67 : vector<1x128x128xf32> to vector<128x128xf32>
    %dot_general3A_69 = arith.constant dense<0.000000e+00> : vector<2000x128xf32>
    %dot_general3A_70 = tpu.matmul %max3A_63, %get3A_68, %dot_general3A_69 {dimension_numbers = #tpu.dot_dimension_numbers<[1], [0], [0], [1], [0, 0, 1, 1], [], []>, transpose_lhs_hint = false} : vector<2000x128xf32>, vector<128x128xf32>, vector<2000x128xf32> -> vector<2000x128xf32>
    %get3A_71 = arith.constant 1 : index
    %get3A_72 = arith.constant 0 : index
    %get3A_73 = vector.load %arg7[%get3A_71, %get3A_72] : memref<2x128xf32, #tpu.memory_space<vmem>>, vector<1x128xf32>
    %get3A_74 = vector.shape_cast %get3A_73 : vector<1x128xf32> to vector<128xf32>
    %broadcast_in_dim3A_75 = vector.shape_cast %get3A_74 : vector<128xf32> to vector<1x128xf32>
    %add3A_76 = vector.broadcast %broadcast_in_dim3A_75 : vector<1x128xf32> to vector<2000x128xf32>
    %add3A_77 = arith.addf %dot_general3A_70, %add3A_76 : vector<2000x128xf32>
    %eq3A_78 = arith.constant 1 : i32
    %eq3A_79 = vector.broadcast %eq3A_78 : i32 to vector<2000x1xi32>
    %eq3A_80 = arith.cmpi eq, %get3A_14, %eq3A_79 : vector<2000x1xi32>
    %broadcast_in_dim3A_81 = vector.shape_cast %eq3A_80 : vector<2000x1xi1> to vector<2000x1xi1>
    %broadcast_in_dim3A_82 = vector.broadcast %broadcast_in_dim3A_81 : vector<2000x1xi1> to vector<2000x128xi1>
    %select_n3A_83 = arith.select %broadcast_in_dim3A_82, %add3A_77, %select_n3A : vector<2000x128xi1>, vector<2000x128xf32>
    %swap3A = arith.constant 0 : index
    %swap3A_84 = arith.constant 0 : index
    %swap3A_85 = vector.load %arg8[%swap3A, %swap3A_84] : memref<2000x128xf32, #tpu.memory_space<vmem>>, vector<2000x128xf32>
    tpu.vector_store %arg8[%swap3A, %swap3A_84], %select_n3A_83 {strides = array<i32>} : memref<2000x128xf32, #tpu.memory_space<vmem>>, vector<2000x128xf32>,
    return
  }
  func.func @transform_0(%arg0: i32) -> (i32, i32) {
    %c0_i32 = arith.constant 0 : i32
    %c0_i32_0 = arith.constant 0 : i32
    return %arg0, %c0_i32 : i32, i32
  }
  func.func @transform_1(%arg0: i32) -> (i32, i32, i32) {
    %c0_i32 = arith.constant 0 : i32
    %c0_i32_0 = arith.constant 0 : i32
    %c0_i32_1 = arith.constant 0 : i32
    return %c0_i32, %arg0, %c0_i32_0 : i32, i32, i32
  }
  func.func @transform_2(%arg0: i32) -> (i32, i32) {
    %c0_i32 = arith.constant 0 : i32
    %c0_i32_0 = arith.constant 0 : i32
    return %arg0, %c0_i32 : i32, i32
  }
  func.func @transform_3(%arg0: i32) -> (i32, i32, i32) {
    %c0_i32 = arith.constant 0 : i32
    %c0_i32_0 = arith.constant 0 : i32
    %c0_i32_1 = arith.constant 0 : i32
    %c0_i32_2 = arith.constant 0 : i32
    return %c0_i32, %c0_i32_0, %c0_i32_1 : i32, i32, i32
  }
  func.func @transform_4(%arg0: i32) -> (i32, i32) {
    %c0_i32 = arith.constant 0 : i32
    %c0_i32_0 = arith.constant 0 : i32
    %c0_i32_1 = arith.constant 0 : i32
    return %c0_i32, %c0_i32_0 : i32, i32
  }
  func.func @transform_5(%arg0: i32) -> (i32, i32, i32) {
    %c0_i32 = arith.constant 0 : i32
    %c0_i32_0 = arith.constant 0 : i32
    %c0_i32_1 = arith.constant 0 : i32
    %c0_i32_2 = arith.constant 0 : i32
    return %c0_i32, %c0_i32_0, %c0_i32_1 : i32, i32, i32
  }
  func.func @transform_6(%arg0: i32) -> (i32, i32) {
    %c0_i32 = arith.constant 0 : i32
    %c0_i32_0 = arith.constant 0 : i32
    %c0_i32_1 = arith.constant 0 : i32
    return %c0_i32, %c0_i32_0 : i32, i32
  }
  func.func @transform_7(%arg0: i32) -> (i32, i32) {
    %c0_i32 = arith.constant 0 : i32
    %c0_i32_0 = arith.constant 0 : i32
    return %arg0, %c0_i32 : i32, i32
  }
}

</mosaic_0001>

<sc_bundles>
// kernel: kernel.12.cloned.1.call-start
scs
__scs_entry_jumppad:
0x0: {  	(pc) =	sbr.rel $0x88, $3  }
0x1: {  	(tag) =	ssettag $0x0;
	lr =	simm.s32 $0x1  }
0x2: {  	[smem:$0x3F95] =	sst lr;
	_ =	strace $0xD0000000  }
0x3: {  	_ = 	snop  }
0x4: {  	_ = 	snop  }
0x5: {  	_ = 	snop  }
0x6: {  	_ = 	snop  }
0x7: {  	_ = 	snop  }
__scs_overlays_trampoline_lowered:
0x8: {  	[smem:$0x3FA4] =	sst s0  }
0x9: {  	[smem:$0x3FA5] =	sst s1  }
0xa: {  	[smem:$0x3FA6] =	sst s2  }
0xb: {  	[smem:$0x3FA7] =	sst s3  }
0xc: {  	[smem:$0x3FA8] =	sst s4  }
0xd: {  	[smem:$0x3FA9] =	sst s5  }
0xe: {  	[smem:$0x3FAA] =	sst s6  }
0xf: {  	[smem:$0x3FAB] =	sst s7  }
0x10: {  	[smem:$0x3FAC] =	sst s8  }
0x11: {  	[smem:$0x3FAD] =	sst s9;
	s0 =	simm.s32 @!p0 $0x0  }
0x12: {  	s1 =	sld [smem:$0x3F93];
	s0 =	simm.s32 @p0 $0x1  }
0x13: {  	[smem:$0x3FAE] =	sst s0;
	s0 =	simm.s32 @!p1 $0x0  }
0x14: {  	s2 =	sld [smem:$0x3F92];
	s0 =	simm.s32 @p1 $0x1  }
0x15: {  	[smem:$0x3FAF] =	sst s0;
	s0 =	simm.s32 @!p2 $0x0  }
0x16: {  	s3 =	sld [smem:$0x3FDB];
	s0 =	simm.s32 @p2 $0x1  }
0x17: {  	s4 =	simm.s32 $0x1BF5;
	[smem:$0x3FB1] =	sst s0  }
0x18: {  	s0 =	sld [smem:$0x3F94];
	_ =	swait.ge [sflag:s4], $0x0  }
0x19: {  	s7 =	sld [smem:$0x3F95]  }
0x1a: {  	s8 =	sadd.s32 $0xFFFFE003, lr  }
0x1b: {  	s9 =	sadd.s32 $0xFFFFFEF7, lr;
	s5 =	simm.s32 $0xFFFFFFFF;
	p2 =	slt.u32 s8, $0xFFFFF086  }
0x1c: {  	p1 =	slt.u32 s9, $0xF7A;
	s5 =	simm.s32 @!p2 $0x0  }
0x1d: {  	s5 =	simm.s32 @p1 $0x1;
	p0 =	seq.s32 s7, s2  }
0x1e: {  	s7 =	smul.u32 @!p0 $0xF7A, s2;
	p2 =	seq.s32 @!p0 s5, $0x0  }
0x1f: {  	s9 =	smul.u32 $0xF7A, s1;
	s8 =	simm.s32 @!p0 $0x1BF5;
	p2 =	por !p2, p0  }
0x20: {  	[sflag:s8] =	ssyncset.s32 @!p0 $0xFFFFF086;
	s6 =	sadd.s32 @!p0 s3, s7;
	s7 =	simm.s32 @!p0 $0x108  }
0x21: {  	s3 =	sadd.s32 s3, s9;
	s6 =	sadd.s32 @!p0 $0x88, s6;
	s7 =	simm.s32 @p2 $0x1082  }
0x22: {  	[simem:s7], [sflag:s8] =	dma.local @!p0 [hbm:s6], $0xF7A  }
0x23: {  	s9 =	sor.u32 $0xD0000000, s2;
	s6 =	simm.s32 $0x108;
	_ =	swait.ge @!p0 [sflag:s8], $0x0  }
0x24: {  	s3 =	sadd.s32 $0x88, s3;
	s6 =	simm.s32 @!p1 $0x1082;
	[sflag:s4] =	ssyncset.s32 $0xFFFFF086  }
0x25: {  	[simem:s6], [sflag:s4] =	dma.local [hbm:s3], $0xF7A  }
0x26: {  	[smem:$0x3F95] =	sst s1;
	(tag) =	ssettag s2;
	_ =	strace s9  }
0x27: {  	s1 =	sld [smem:$0x3FA5]  }
0x28: {  	s2 =	sld [smem:$0x3FA6]  }
0x29: {  	s4 =	sld [smem:$0x3FA8]  }
0x2a: {  	p0 =	seq.s32 s5, $0x0;
	s5 =	sld [smem:$0x3FA9]  }
0x2b: {  	s6 =	sld [smem:$0x3FAA]  }
0x2c: {  	s7 =	sld [smem:$0x3FAB]  }
0x2d: {  	s3 =	simm.s32 $0x108;
	s8 =	sld [smem:$0x3FAC]  }
0x2e: {  	s3 =	simm.s32 @!p0 $0x1082;
	s9 =	sld [smem:$0x3FAD]  }
0x2f: {  	lr =	sadd.s32 s0, s3;
	s0 =	sld [smem:$0x3FA4]  }
0x30: {  	s3 =	sld [smem:$0x3FA7]  }
0x31: {  	[smem:$0x3FB0] =	sst s10  }
0x32: {  	s10 =	sld [smem:$0x3FAE];
	_ =	sdelay $0x3  }
0x33: {  	p0 =	seq.s32 s10, $0x1;
	s10 =	sld [smem:$0x3FB0];
	_ =	sdelay $0x3  }
0x34: {  	[smem:$0x3FB0] =	sst s10  }
0x35: {  	s10 =	sld [smem:$0x3FAF];
	_ =	sdelay $0x3  }
0x36: {  	p1 =	seq.s32 s10, $0x1;
	s10 =	sld [smem:$0x3FB0];
	_ =	sdelay $0x3  }
0x37: {  	[smem:$0x3FB0] =	sst s10  }
0x38: {  	s10 =	sld [smem:$0x3FB1]  }
0x39: {  	_ = 	snop;
	(pc) =	sbr.ind lr, $3  }
0x3a: {  	_ = 	snop  }
0x3b: {  	_ = 	snop  }
0x3c: {  	p2 =	seq.s32 s10, $0x1;
	s10 =	sld [smem:$0x3FB0]  }
0x3d: {  	_ =	shalt  }
0x3e: {  	_ =	shalt  }
0x3f: {  	_ =	shalt  }
0x40: {  	_ =	shalt  }
0x41: {  	_ =	shalt  }
0x42: {  	_ =	shalt  }
0x43: {  	_ =	shalt  }
0x44: {  	_ =	shalt  }
0x45: {  	_ =	shalt  }
0x46: {  	_ =	shalt  }
0x47: {  	_ =	shalt  }
0x48: {  	_ =	shalt  }
0x49: {  	_ =	shalt  }
0x4a: {  	_ =	shalt  }
0x4b: {  	_ =	shalt  }
0x4c: {  	_ =	shalt  }
0x4d: {  	_ =	shalt  }
0x4e: {  	_ =	shalt  }
0x4f: {  	_ =	shalt  }
0x50: {  	_ =	shalt  }
0x51: {  	_ =	shalt  }
0x52: {  	_ =	shalt  }
0x53: {  	_ =	shalt  }
0x54: {  	_ =	shalt  }
0x55: {  	_ =	shalt  }
0x56: {  	_ =	shalt  }
0x57: {  	_ =	shalt  }
0x58: {  	_ =	shalt  }
0x59: {  	_ =	shalt  }
0x5a: {  	_ =	shalt  }
0x5b: {  	_ =	shalt  }
0x5c: {  	_ =	shalt  }
0x5d: {  	_ =	shalt  }
0x5e: {  	_ =	shalt  }
0x5f: {  	_ =	shalt  }
0x60: {  	_ =	shalt  }
0x61: {  	_ =	shalt  }
0x62: {  	_ =	shalt  }
0x63: {  	_ =	shalt  }
0x64: {  	_ =	shalt  }
0x65: {  	_ =	shalt  }
0x66: {  	_ =	shalt  }
0x67: {  	_ =	shalt  }
0x68: {  	_ =	shalt  }
0x69: {  	_ =	shalt  }
0x6a: {  	_ =	shalt  }
0x6b: {  	_ =	shalt  }
0x6c: {  	_ =	shalt  }
0x6d: {  	_ =	shalt  }
0x6e: {  	_ =	shalt  }
0x6f: {  	_ =	shalt  }
0x70: {  	_ =	shalt  }
0x71: {  	_ =	shalt  }
0x72: {  	_ =	shalt  }
0x73: {  	_ =	shalt  }
0x74: {  	_ =	shalt  }
0x75: {  	_ =	shalt  }
0x76: {  	_ =	shalt  }
0x77: {  	_ =	shalt  }
0x78: {  	_ =	shalt  }
0x79: {  	_ =	shalt  }
0x7a: {  	_ =	shalt  }
0x7b: {  	_ =	shalt  }
0x7c: {  	_ =	shalt  }
0x7d: {  	_ =	shalt  }
0x7e: {  	_ =	shalt  }
0x7f: {  	_ =	shalt  }
0x80: {  	_ =	shalt  }
0x81: {  	_ =	shalt  }
0x82: {  	_ =	shalt  }
0x83: {  	_ =	shalt  }
0x84: {  	_ =	shalt  }
0x85: {  	_ =	shalt  }
0x86: {  	_ =	shalt  }
0x87: {  	_ =	shalt  }
.Lfunc_end0:
.L_simem_size_0:
called_computation.1_lowered:
.L_overlay_start_0:
0x88: {  	s2 =	sld [smem:$0x3FD9]  }
0x89: {  	s3 =	sld [smem:$0x3FFE];
	_ =	sdelay $0x1  }
0x8a: {  	s1 =	srdreg.scid  }
0x8b: {  	s0 =	sand.u32 $0x1, s1  }
0x8c: {  	s17 =	sshll.u32 s0, $0xA;
	s2 =	sadd.s32 s3, s2  }
0x8d: {  	s2 =	sadd.s32 s2, s17  }
0x8e: {  	[smem:$0x3FBC] =	sst s2  }
0x8f: {  	_ = 	snop  }
0x90: {  	s2 =	sld [smem:$0x3FD0];
	(tm) =	ssettm $0x1  }
0x91: {  	s18 =	sld [smem:$0x3FFB];
	_ =	sdelay $0x3  }
0x92: {  	_ =	strace s18  }
0x93: {  	s3 =	sld [smem:$0x3FFC];
	_ =	sdelay $0x3  }
0x94: {  	_ =	strace s3  }
0x95: {  	s3 =	sld [smem:$0x3FFD];
	_ =	sdelay $0x3  }
0x96: {  	_ =	strace s3  }
0x97: {  	_ =	strace $0x8FFFFFFF  }
0x98: {  	s19 =	sld [smem:$0x3FDB];
	_ =	sdelay $0x1  }
0x99: {  	s4 =	simm.s32 $_scs_section_size  }
0x9a: {  	s5 =	simm.s32 $_size__tile_overlayer_lowered;
	s6 =	simm.s32 $_tile_overlayer_lowered  }
0x9b: {  	s22 =	simm.s32 $0x1BFF;
	s21 =	sshll.u32 s6, $0x1;
	s3 =	sadd.s32 s4, s19  }
0x9c: {  	s7 =	simm.s32 $0x0;
	s20 =	sshll.u32 s5, $0x1;
	s5 =	sadd.s32 s21, s3  }
0x9d: {  	[timem:s7], [sflag:s22] =	dma.local [hbm:s5], s20  }
0x9e: {  	_ =	swait.ge [sflag:s22], s20  }
0x9f: {  	s4 =	ssub.s32 $0x0, s20;
	[sflag:s22] =	ssyncset.done $0x0  }
0xa0: {  	[sflag:s22] =	ssyncadd.s32 s4;
	_ =	sdelay $0x1  }
0xa1: {  	s23 =	simm.s32 $0x1B8B  }
0xa2: {  	_ =	swait.ge [sflag:s23], $0x1  }
0xa3: {  	[sflag:s23] =	ssyncset.done $0x0  }
0xa4: {  	s25 =	simm.s32 $0x1B8E;
	s24 =	sld [smem:$0x3FFE];
	[sflag:s23] =	ssyncadd.s32 $0xFFFFFFFF  }
0xa5: {  	s26 =	simm.s32 $execute0_lowered;
	[smem:$0x3FD2] =	sst s25  }
0xa6: {  	s5 =	sshll.u32 s26, $0x1;
	_ =	strace $0x80000049;
	[dreg:$0x1] =	wrdreg $0xFFFFFFFF  }
0xa7: {  	s28 =	simm.s32 $_size_execute0_lowered;
	s3 =	sadd.s32 s3, s5;
	[dreg:$0x0] =	wrdreg $0x0  }
0xa8: {  	s5 =	sshll.u32 s28, $0x1;
	[dreg:$0x2] =	wrdreg s3  }
0xa9: {  	[dreg:$0x3] =	wrdreg s5  }
0xaa: {  	[dreg:$0x4] =	wrdreg $0xC0  }
0xab: {  	_ =	task [dreg:s7], $0x5FFFF  }
0xac: {  	[dreg:$0x1] =	wrdreg $0xFFFFFFFF  }
0xad: {  	[dreg:$0x0] =	wrdreg $0x60  }
0xae: {  	[dreg:$0x2] =	wrdreg s24  }
0xaf: {  	[dreg:$0x3] =	wrdreg s2  }
0xb0: {  	[dreg:$0x4] =	wrdreg $0xA8000  }
0xb1: {  	[dreg:$0x5] =	wrdreg $0x9  }
0xb2: {  	_ =	task.clear_ibuf [dreg:s7], $0x6FFFF;
	_ =	strace $0x90000049  }
0xb3: {  	s29 =	simm.s32 $0x9;
	_ =	strace $0x8000004B  }
0xb4: {  	_ =	swait.ge [sflag:s29], $0x1  }
0xb5: {  	[sflag:s29] =	ssyncadd.s32 $0xFFFFFFFF  }
0xb6: {  	_ =	strace $0x9000004B  }
0xb7: {  	_ =	sfence  }
0xb8: {  	s30 =	sld [smem:$0x0];
	_ =	sdelay $0x2  }
0xb9: {  	s31 =	sshll.u32 s1, $0xD;
	s1 =	sshrl.u32 s1, $0x2  }
0xba: {  	s3 =	sand.u32 $0x4000, s31;
	s1 =	sadd.s32 s1, s30  }
0xbb: {  	s0 =	sor.u32 s3, s0;
	s1 =	sshll.u32 s1, $0x11  }
0xbc: {  	s0 =	sor.u32 s1, s0  }
0xbd: {  	s0 =	sadd.s32 $0x8F2B, s0  }
0xbe: {  	[sflag:s0] =	ssyncadd.remote.s32 $0x1  }
0xbf: {  	_ =	sfence.sel $0xFFFF  }
0xc0: {  	[dreg:$0x0] =	wrdreg $0xFFFFFFFF;
	(pc) =	sbr.abs _section_cstart, $3  }
0xc1: {  	[dreg:$0x1] =	wrdreg $0xFFFFFFFF  }
0xc2: {  	_ =	task.clear_ibuf [dreg:s7], $0x2FFFF;
	_ =	strace $0x9FFFFFFF  }
0xc3: {  	(tm) =	ssettm $0x7FFFFFFF  }
tec
execute0_lowered:
.L_overlay_start_1:
0x0: {  	(tag) =	ssettag $0x1  }
0x1: {  	s5 =	rddreg [dreg:$0x0]  }
0x2: {  	s1 =	srdreg.scid;
	s7 =	rddreg [dreg:$0x1]  }
0x3: {  	s0 =	stileid.u32;
	s2 =	rddreg [dreg:$0x2]  }
0x4: {  	s3 =	simm.s32 $0x0;
	s14 =	simm.s32 $0x2800;
	s15 =	simm.s32 $0x6800  }
0x5: {  	s16 =	simm.s32 $0x1;
	s17 =	simm.s32 $0x2;
	s18 =	simm.s32 $0x1380  }
0x6: {  	s19 =	simm.s32 $0x2700;
	s20 =	simm.s32 $0x2780;
	s6 =	sand.u32 $0x1, s1  }
0x7: {  	s29 =	sshll.u32 s0, $0x1;
	s23 =	smul.u32 $0x2780, s0;
	[smem:$0x7FF] =	sst s3  }
0x8: {  	s4 =	sadd.s32 $0xC800, s5;
	s10 =	smul.u32 $0x4F000, s0;
	s31 =	sshll.u32 s0, $0x6  }
0x9: {  	s1 =	sor.u32 s6, s29;
	s9 =	smul.u32 $0x27800, s6;
	s6 =	ssub.s32 $0x2, s6  }
0xa: {  	s8 =	smul.u32 $0x500, s1;
	s1 =	rddreg [dreg:$0x3];
	_ =	strace $0x8000004A  }
0xb: {  	s12 =	sadd.s32 s23, s5;
	s30 =	sshrl.u32 s6, $0x1;
	s10 =	sshrl.u32 s10, $0x2  }
0xc: {  	s9 =	sadd.s32 s9, s5;
	s13 =	ssub.s32 s6, s30;
	s10 =	sadd.s32 s10, s2  }
0xd: {  	s6 =	sor.u32 $0x1C03, s31;
	s11 =	sadd.s32 s8, s5;
	s5 =	sadd.s32 $0xA8C00, s12  }
0xe: {  	s7 =	sadd.s32 s7, s8;
	s24 =	sadd.s32 $0xD0400, s9;
	s9 =	smax.u32 s13, $0x1  }
0xf: {  	s10 =	sshrl.u32 s10, $0x3;
	s12 =	simm.s32 $0x1400;
	s13 =	simm.s32 $0x80  }
0x10: {  	s8 =	sadd.s32 $0x2800, s11;
	s11 =	simm.s32 $0x3;
	s21 =	sadd.s32 $0x280, s7  }
0x11: {  	s23 =	sadd.s32 s23, s24;
	s24 =	simm.s32 $0x0;
	s22 =	sadd.s32 $0x280, s8  }
.LBB2_1:
0x12: {  	[spmem:s10], [sflag:s6] =	dma.local [hbm:s5], $0x2780  }
0x13: {  	_ =	swait.ge [sflag:s11], $0x2780  }
0x14: {  	[sflag:s11] =	ssyncset.done $0x0  }
0x15: {  	[sflag:s11] =	ssyncadd.s32 $0xFFFFD880  }
0x16: {  	[bflag:$0x0] =	sbarrier.arrive $0xFFFF  }
0x17: {  	[tilespmem:s3], [sflag:$0x3] =	stream.linear.gather [hbm4b:s7+s3], $0x1400, $0x38;
	[tilespmem:$0x1E400] =	vst v63  }
0x18: {  	_ =	swait.ge [sflag:s11], $0x1400  }
0x19: {  	[sflag:s11] =	ssyncset.done $0x0  }
0x1a: {  	[sflag:s11] =	ssyncadd.s32 $0xFFFFEC00  }
0x1b: {  	[tilespmem:s12], [sflag:$0x3] =	stream.linear.gather [hbm4b:s8+s3], $0x1400, $0x38;
	[tilespmem:$0x1E400] =	vst v63  }
0x1c: {  	_ =	swait.ge [sflag:s11], $0x1400  }
0x1d: {  	[sflag:s11] =	ssyncset.done $0x0  }
0x1e: {  	[sflag:s11] =	ssyncadd.s32 $0xFFFFEC00  }
0x1f: {  	[tilespmem:s14], [sflag:$0x1] =	stream.indirect.gather [hbm4b:s4+s13], $0x80, s3, s13, $0xb8;
	[tilespmem:$0x1E400] =	vst v63  }
0x20: {  	s25 =	simm.s32 $0x80  }
0x21: {  	[tilespmem:s15], [sflag:$0x2] =	stream.indirect.gather [hbm4b:s4+s13], $0x80, s25, s13, $0xb8;
	[tilespmem:$0x1E400] =	vst v63  }
0x22: {  	_ =	swait.ge [sflag:s16], $0x4000  }
0x23: {  	[sflag:s16] =	ssyncset.done $0x0  }
0x24: {  	s29 =	simm.s32 $0x1400;
	[sflag:s16] =	ssyncadd.s32 $0xFFFFC000  }
0x25: {  	[spmem:s2] =	stream.indirect.scatter.add.f32 [tilespmem:s14], [sflag:$0x3], $0x80, s29, s13, $0xb8;
	[tilespmem:$0x1E400] =	vst v63  }
0x26: {  	_ =	swait.ge [sflag:s11], $0x4000  }
0x27: {  	[sflag:s11] =	ssyncset.done $0x0  }
0x28: {  	s30 =	simm.s32 $0x100;
	[sflag:s11] =	ssyncadd.s32 $0xFFFFC000  }
0x29: {  	[tilespmem:s14], [sflag:$0x1] =	stream.indirect.gather [hbm4b:s4+s13], $0x80, s30, s13, $0xb8;
	[tilespmem:$0x1E400] =	vst v63  }
0x2a: {  	_ =	swait.ge [sflag:s17], $0x4000  }
0x2b: {  	[sflag:s17] =	ssyncset.done $0x0  }
0x2c: {  	s31 =	simm.s32 $0x1480;
	[sflag:s17] =	ssyncadd.s32 $0xFFFFC000  }
0x2d: {  	[spmem:s2] =	stream.indirect.scatter.add.f32 [tilespmem:s15], [sflag:$0x3], $0x80, s31, s13, $0xb8;
	[tilespmem:$0x1E400] =	vst v63  }
0x2e: {  	_ =	swait.ge [sflag:s11], $0x4000  }
0x2f: {  	s26 =	simm.s32 $0x800;
	s25 =	simm.s32 $0x100;
	[sflag:s11] =	ssyncset.done $0x0  }
.LBB2_2:
0x30: {  	s28 =	sadd.s32 $0x80, s25  }
0x31: {  	[sflag:s11] =	ssyncadd.s32 $0xFFFFC000;
	s29 =	smov.u32 s26;
	s30 =	sadd.s32 $0x400, s26  }
0x32: {  	[tilespmem:s15], [sflag:$0x2] =	stream.indirect.gather [hbm4b:s4+s13], $0x80, s28, s13, $0xb8;
	[tilespmem:$0x1E400] =	vst v63  }
0x33: {  	p0 =	sne.s32 s26, $0x4800;
	_ =	swait.ge [sflag:s16], $0x4000  }
0x34: {  	[sflag:s16] =	ssyncset.done $0x0  }
0x35: {  	s26 =	sadd.s32 $0x1400, s25;
	[sflag:s16] =	ssyncadd.s32 $0xFFFFC000  }
0x36: {  	[spmem:s2] =	stream.indirect.scatter.add.f32 [tilespmem:s14], [sflag:$0x3], $0x80, s26, s13, $0xb8;
	[tilespmem:$0x1E400] =	vst v63  }
0x37: {  	_ =	swait.ge [sflag:s11], $0x4000  }
0x38: {  	[sflag:s11] =	ssyncset.done $0x0  }
0x39: {  	s26 =	sadd.s32 $0x100, s25;
	[sflag:s11] =	ssyncadd.s32 $0xFFFFC000  }
0x3a: {  	[tilespmem:s14], [sflag:$0x1] =	stream.indirect.gather [hbm4b:s4+s13], $0x80, s26, s13, $0xb8;
	[tilespmem:$0x1E400] =	vst v63  }
0x3b: {  	_ =	swait.ge [sflag:s17], $0x4000  }
.Ltmp0:
0x3c: {  	[sflag:s17] =	ssyncset.done $0x0;
	(pc) =	sbr.rel @p0 .LBB2_2-.Ltmp0, $4  }
0x3d: {  	s25 =	sadd.s32 $0x1480, s25;
	[sflag:s17] =	ssyncadd.s32 $0xFFFFC000  }
0x3e: {  	[spmem:s2] =	stream.indirect.scatter.add.f32 [tilespmem:s15], [sflag:$0x3], $0x80, s25, s13, $0xb8;
	[tilespmem:$0x1E400] =	vst v63  }
0x3f: {  	_ =	swait.ge [sflag:s11], $0x4000  }
0x40: {  	s26 =	smov.u32 s30;
	s25 =	sshra.s32 s29, $0x2;
	[sflag:s11] =	ssyncset.done $0x0  }
0x41: {  	s26 =	sadd.s32 $0x80, s25;
	[sflag:s11] =	ssyncadd.s32 $0xFFFFC000  }
0x42: {  	[tilespmem:s15], [sflag:$0x2] =	stream.indirect.gather [hbm4b:s4+s13], $0x80, s26, s13, $0xb8;
	[tilespmem:$0x1E400] =	vst v63  }
0x43: {  	_ =	swait.ge [sflag:s16], $0x4000  }
0x44: {  	[sflag:s16] =	ssyncset.done $0x0  }
0x45: {  	s29 =	sadd.s32 $0x1400, s25;
	[sflag:s16] =	ssyncadd.s32 $0xFFFFC000  }
0x46: {  	[spmem:s2] =	stream.indirect.scatter.add.f32 [tilespmem:s14], [sflag:$0x3], $0x80, s29, s13, $0xb8;
	[tilespmem:$0x1E400] =	vst v63  }
0x47: {  	_ =	swait.ge [sflag:s11], $0x4000  }
0x48: {  	[sflag:s11] =	ssyncset.done $0x0  }
0x49: {  	s30 =	sadd.s32 $0x100, s25;
	[sflag:s11] =	ssyncadd.s32 $0xFFFFC000  }
0x4a: {  	[tilespmem:s14], [sflag:$0x1] =	stream.indirect.gather [hbm4b:s4+s13], $0x80, s30, s13, $0xb8;
	[tilespmem:$0x1E400] =	vst v63  }
0x4b: {  	_ =	swait.ge [sflag:s17], $0x4000  }
0x4c: {  	[sflag:s17] =	ssyncset.done $0x0  }
0x4d: {  	s31 =	sadd.s32 $0x1480, s25;
	[sflag:s17] =	ssyncadd.s32 $0xFFFFC000  }
0x4e: {  	[spmem:s2] =	stream.indirect.scatter.add.f32 [tilespmem:s15], [sflag:$0x3], $0x80, s31, s13, $0xb8;
	[tilespmem:$0x1E400] =	vst v63  }
0x4f: {  	_ =	swait.ge [sflag:s11], $0x4000  }
0x50: {  	[sflag:s11] =	ssyncset.done $0x0  }
0x51: {  	[sflag:s11] =	ssyncadd.s32 $0xFFFFC000  }
0x52: {  	[tilespmem:s15], [sflag:$0x2] =	stream.indirect.gather [hbm4b:s4+s13], $0x80, s18, s13, $0xb8;
	[tilespmem:$0x1E400] =	vst v63  }
0x53: {  	_ =	swait.ge [sflag:s16], $0x4000  }
0x54: {  	[sflag:s16] =	ssyncset.done $0x0  }
0x55: {  	[sflag:s16] =	ssyncadd.s32 $0xFFFFC000  }
0x56: {  	[spmem:s2] =	stream.indirect.scatter.add.f32 [tilespmem:s14], [sflag:$0x3], $0x80, s19, s13, $0xb8;
	[tilespmem:$0x1E400] =	vst v63  }
0x57: {  	_ =	swait.ge [sflag:s11], $0x4000  }
0x58: {  	[sflag:s11] =	ssyncset.done $0x0  }
0x59: {  	[sflag:s11] =	ssyncadd.s32 $0xFFFFC000  }
0x5a: {  	_ =	swait.ge [sflag:s17], $0x4000  }
0x5b: {  	[sflag:s17] =	ssyncset.done $0x0  }
0x5c: {  	[sflag:s17] =	ssyncadd.s32 $0xFFFFC000  }
0x5d: {  	[spmem:s2] =	stream.indirect.scatter.add.f32 [tilespmem:s15], [sflag:$0x3], $0x80, s20, s13, $0xb8;
	[tilespmem:$0x1E400] =	vst v63  }
0x5e: {  	_ =	swait.ge [sflag:s11], $0x4000  }
0x5f: {  	[sflag:s11] =	ssyncset.done $0x0  }
0x60: {  	s26 =	simm.s32 $0x0;
	[sflag:s11] =	ssyncadd.s32 $0xFFFFC000  }
0x61: {  	[tilespmem:s26], [sflag:$0x3] =	stream.linear.gather [hbm4b:s21+s26], $0x1400, $0x38;
	[tilespmem:$0x1E400] =	vst v63  }
0x62: {  	_ =	swait.ge [sflag:s11], $0x1400  }
0x63: {  	[sflag:s11] =	ssyncset.done $0x0  }
0x64: {  	[sflag:s11] =	ssyncadd.s32 $0xFFFFEC00  }
0x65: {  	[tilespmem:s12], [sflag:$0x3] =	stream.linear.gather [hbm4b:s22+s26], $0x1400, $0x38;
	[tilespmem:$0x1E400] =	vst v63  }
0x66: {  	_ =	swait.ge [sflag:s11], $0x1400  }
0x67: {  	[sflag:s11] =	ssyncset.done $0x0  }
0x68: {  	[sflag:s11] =	ssyncadd.s32 $0xFFFFEC00  }
0x69: {  	[tilespmem:s14], [sflag:$0x1] =	stream.indirect.gather [hbm4b:s4+s13], $0x80, s26, s13, $0xb8;
	[tilespmem:$0x1E400] =	vst v63  }
0x6a: {  	s28 =	simm.s32 $0x80  }
0x6b: {  	[tilespmem:s15], [sflag:$0x2] =	stream.indirect.gather [hbm4b:s4+s13], $0x80, s28, s13, $0xb8;
	[tilespmem:$0x1E400] =	vst v63  }
0x6c: {  	_ =	swait.ge [sflag:s16], $0x4000  }
0x6d: {  	[sflag:s16] =	ssyncset.done $0x0  }
0x6e: {  	s29 =	simm.s32 $0x1400;
	[sflag:s16] =	ssyncadd.s32 $0xFFFFC000  }
0x6f: {  	[spmem:s2] =	stream.indirect.scatter.add.f32 [tilespmem:s14], [sflag:$0x3], $0x80, s29, s13, $0xb8;
	[tilespmem:$0x1E400] =	vst v63  }
0x70: {  	_ =	swait.ge [sflag:s11], $0x4000  }
0x71: {  	[sflag:s11] =	ssyncset.done $0x0  }
0x72: {  	s30 =	simm.s32 $0x100;
	[sflag:s11] =	ssyncadd.s32 $0xFFFFC000  }
0x73: {  	[tilespmem:s14], [sflag:$0x1] =	stream.indirect.gather [hbm4b:s4+s13], $0x80, s30, s13, $0xb8;
	[tilespmem:$0x1E400] =	vst v63  }
0x74: {  	_ =	swait.ge [sflag:s17], $0x4000  }
0x75: {  	[sflag:s17] =	ssyncset.done $0x0  }
0x76: {  	s31 =	simm.s32 $0x1480;
	[sflag:s17] =	ssyncadd.s32 $0xFFFFC000  }
0x77: {  	[spmem:s2] =	stream.indirect.scatter.add.f32 [tilespmem:s15], [sflag:$0x3], $0x80, s31, s13, $0xb8;
	[tilespmem:$0x1E400] =	vst v63  }
0x78: {  	_ =	swait.ge [sflag:s11], $0x4000  }
0x79: {  	s25 =	simm.s32 $0x100;
	s26 =	simm.s32 $0x800;
	[sflag:s11] =	ssyncset.done $0x0  }
.LBB2_4:
0x7a: {  	s28 =	sadd.s32 $0x80, s25  }
0x7b: {  	[sflag:s11] =	ssyncadd.s32 $0xFFFFC000;
	s29 =	smov.u32 s26;
	s30 =	sadd.s32 $0x400, s26  }
0x7c: {  	[tilespmem:s15], [sflag:$0x2] =	stream.indirect.gather [hbm4b:s4+s13], $0x80, s28, s13, $0xb8;
	[tilespmem:$0x1E400] =	vst v63  }
0x7d: {  	p0 =	sne.s32 s26, $0x4800;
	_ =	swait.ge [sflag:s16], $0x4000  }
0x7e: {  	[sflag:s16] =	ssyncset.done $0x0  }
0x7f: {  	s26 =	sadd.s32 $0x1400, s25;
	[sflag:s16] =	ssyncadd.s32 $0xFFFFC000  }
0x80: {  	[spmem:s2] =	stream.indirect.scatter.add.f32 [tilespmem:s14], [sflag:$0x3], $0x80, s26, s13, $0xb8;
	[tilespmem:$0x1E400] =	vst v63  }
0x81: {  	_ =	swait.ge [sflag:s11], $0x4000  }
0x82: {  	[sflag:s11] =	ssyncset.done $0x0  }
0x83: {  	s26 =	sadd.s32 $0x100, s25;
	[sflag:s11] =	ssyncadd.s32 $0xFFFFC000  }
0x84: {  	[tilespmem:s14], [sflag:$0x1] =	stream.indirect.gather [hbm4b:s4+s13], $0x80, s26, s13, $0xb8;
	[tilespmem:$0x1E400] =	vst v63  }
0x85: {  	_ =	swait.ge [sflag:s17], $0x4000  }
.Ltmp1:
0x86: {  	[sflag:s17] =	ssyncset.done $0x0;
	(pc) =	sbr.rel @p0 .LBB2_4-.Ltmp1, $4  }
0x87: {  	s25 =	sadd.s32 $0x1480, s25;
	[sflag:s17] =	ssyncadd.s32 $0xFFFFC000  }
0x88: {  	[spmem:s2] =	stream.indirect.scatter.add.f32 [tilespmem:s15], [sflag:$0x3], $0x80, s25, s13, $0xb8;
	[tilespmem:$0x1E400] =	vst v63  }
0x89: {  	_ =	swait.ge [sflag:s11], $0x4000  }
0x8a: {  	s26 =	smov.u32 s30;
	s25 =	sshra.s32 s29, $0x2;
	[sflag:s11] =	ssyncset.done $0x0  }
0x8b: {  	s26 =	sadd.s32 $0x80, s25;
	[sflag:s11] =	ssyncadd.s32 $0xFFFFC000  }
0x8c: {  	[tilespmem:s15], [sflag:$0x2] =	stream.indirect.gather [hbm4b:s4+s13], $0x80, s26, s13, $0xb8;
	[tilespmem:$0x1E400] =	vst v63  }
0x8d: {  	_ =	swait.ge [sflag:s16], $0x4000  }
0x8e: {  	[sflag:s16] =	ssyncset.done $0x0  }
0x8f: {  	s29 =	sadd.s32 $0x1400, s25;
	[sflag:s16] =	ssyncadd.s32 $0xFFFFC000  }
0x90: {  	[spmem:s2] =	stream.indirect.scatter.add.f32 [tilespmem:s14], [sflag:$0x3], $0x80, s29, s13, $0xb8;
	[tilespmem:$0x1E400] =	vst v63  }
0x91: {  	_ =	swait.ge [sflag:s11], $0x4000  }
0x92: {  	[sflag:s11] =	ssyncset.done $0x0  }
0x93: {  	s30 =	sadd.s32 $0x100, s25;
	[sflag:s11] =	ssyncadd.s32 $0xFFFFC000  }
0x94: {  	[tilespmem:s14], [sflag:$0x1] =	stream.indirect.gather [hbm4b:s4+s13], $0x80, s30, s13, $0xb8;
	[tilespmem:$0x1E400] =	vst v63  }
0x95: {  	_ =	swait.ge [sflag:s17], $0x4000  }
0x96: {  	[sflag:s17] =	ssyncset.done $0x0  }
0x97: {  	s31 =	sadd.s32 $0x1480, s25;
	[sflag:s17] =	ssyncadd.s32 $0xFFFFC000  }
0x98: {  	[spmem:s2] =	stream.indirect.scatter.add.f32 [tilespmem:s15], [sflag:$0x3], $0x80, s31, s13, $0xb8;
	[tilespmem:$0x1E400] =	vst v63  }
0x99: {  	_ =	swait.ge [sflag:s11], $0x4000  }
0x9a: {  	[sflag:s11] =	ssyncset.done $0x0  }
0x9b: {  	[sflag:s11] =	ssyncadd.s32 $0xFFFFC000  }
0x9c: {  	[tilespmem:s15], [sflag:$0x2] =	stream.indirect.gather [hbm4b:s4+s13], $0x80, s18, s13, $0xb8;
	[tilespmem:$0x1E400] =	vst v63  }
0x9d: {  	_ =	swait.ge [sflag:s16], $0x4000  }
0x9e: {  	[sflag:s16] =	ssyncset.done $0x0  }
0x9f: {  	[sflag:s16] =	ssyncadd.s32 $0xFFFFC000  }
0xa0: {  	[spmem:s2] =	stream.indirect.scatter.add.f32 [tilespmem:s14], [sflag:$0x3], $0x80, s19, s13, $0xb8;
	[tilespmem:$0x1E400] =	vst v63  }
0xa1: {  	_ =	swait.ge [sflag:s11], $0x4000  }
0xa2: {  	[sflag:s11] =	ssyncset.done $0x0  }
0xa3: {  	[sflag:s11] =	ssyncadd.s32 $0xFFFFC000  }
0xa4: {  	_ =	swait.ge [sflag:s17], $0x4000  }
0xa5: {  	[sflag:s17] =	ssyncset.done $0x0  }
0xa6: {  	[sflag:s17] =	ssyncadd.s32 $0xFFFFC000  }
0xa7: {  	[spmem:s2] =	stream.indirect.scatter.add.f32 [tilespmem:s15], [sflag:$0x3], $0x80, s20, s13, $0xb8;
	[tilespmem:$0x1E400] =	vst v63  }
0xa8: {  	_ =	swait.ge [sflag:s11], $0x4000  }
0xa9: {  	s24 =	sadd.s32 $0x1, s24;
	[sflag:s11] =	ssyncset.done $0x0  }
0xaa: {  	p0 =	sne.s32 s24, s9;
	[sflag:s11] =	ssyncadd.s32 $0xFFFFC000  }
.Ltmp2:
0xab: {  	[bflag:$0x0] =	sbarrier.arrive $0xFFFF;
	(pc) =	sbr.rel @p0 .LBB2_1-.Ltmp2, $4  }
0xac: {  	[hbm:s23], [sflag:s6] =	dma.local [spmem:s10], $0x2780  }
0xad: {  	_ =	swait.ge [sflag:s11], $0x2780  }
0xae: {  	[sflag:s11] =	ssyncset.done $0x0  }
0xaf: {  	[sflag:s11] =	ssyncadd.s32 $0xFFFFD880  }
0xb0: {  	_ =	sfence.sel $0x180000  }
0xb1: {  	[bflag:$0x0] =	sbarrier.arrive $0xFFFF  }
0xb2: {  	p0 =	sne.s32 s0, $0x0;
	_ =	strace $0x9000004A  }
0xb3: {  	s0 =	sadd.s32 @!p0 $0x100000, s1;
	[bflag:$0x2] =	sbarrier.arrive $0xFFFF  }
0xb4: {  	[sflag:s0] =	ssyncadd.tile.s32 @!p0 $0x1;
	_ =	shalt  }
.Lfunc_end2:
_tile_overlayer_lowered:
.L_overlay_start_2:
0xb5: {  	(tag) =	ssettag $0x2  }
0xb6: {  	s0 =	rddreg [dreg:$0x0];
	s2 =	stileid.u32  }
0xb7: {  	s1 =	rddreg [dreg:$0x1];
	p0 =	sne.s32 s2, $0x0  }
0xb8: {  	s3 =	rddreg [dreg:$0x2];
	[bflag:$0x3] =	sbarrier.arrive $0xFFFF;
	s2 =	simm.s32 @!p0 $0x1C03  }
0xb9: {  	[timem:s3], [sflag:s2] =	dma.local @!p0 [hbm:s0], s1  }
0xba: {  	s0 =	simm.s32 @!p0 $0x3  }
0xbb: {  	_ =	swait.ge @!p0 [sflag:s0], s1  }
0xbc: {  	s1 =	ssub.s32 @!p0 $0x0, s1;
	[sflag:s0] =	ssyncset.done @!p0 $0x0  }
0xbd: {  	[sflag:s0] =	ssyncadd.s32 @!p0 s1  }
0xbe: {  	[bflag:$0x3] =	sbarrier.arrive $0xFFFF  }
0xbf: {  	_ =	shalt  }

// kernel: kernel.9.cloned.1.call-start
scs
__scs_entry_jumppad:
0x0: {  	(pc) =	sbr.rel $0x88, $3  }
0x1: {  	(tag) =	ssettag $0x0;
	lr =	simm.s32 $0x1  }
0x2: {  	[smem:$0x3F95] =	sst lr;
	_ =	strace $0xD0000000  }
0x3: {  	_ = 	snop  }
0x4: {  	_ = 	snop  }
0x5: {  	_ = 	snop  }
0x6: {  	_ = 	snop  }
0x7: {  	_ = 	snop  }
__scs_overlays_trampoline_lowered:
0x8: {  	[smem:$0x3FA4] =	sst s0  }
0x9: {  	[smem:$0x3FA5] =	sst s1  }
0xa: {  	[smem:$0x3FA6] =	sst s2  }
0xb: {  	[smem:$0x3FA7] =	sst s3  }
0xc: {  	[smem:$0x3FA8] =	sst s4  }
0xd: {  	[smem:$0x3FA9] =	sst s5  }
0xe: {  	[smem:$0x3FAA] =	sst s6  }
0xf: {  	[smem:$0x3FAB] =	sst s7  }
0x10: {  	[smem:$0x3FAC] =	sst s8  }
0x11: {  	[smem:$0x3FAD] =	sst s9;
	s0 =	simm.s32 @!p0 $0x0  }
0x12: {  	s1 =	sld [smem:$0x3F93];
	s0 =	simm.s32 @p0 $0x1  }
0x13: {  	[smem:$0x3FAE] =	sst s0;
	s0 =	simm.s32 @!p1 $0x0  }
0x14: {  	s2 =	sld [smem:$0x3F92];
	s0 =	simm.s32 @p1 $0x1  }
0x15: {  	[smem:$0x3FAF] =	sst s0;
	s0 =	simm.s32 @!p2 $0x0  }
0x16: {  	s3 =	sld [smem:$0x3FDB];
	s0 =	simm.s32 @p2 $0x1  }
0x17: {  	s4 =	simm.s32 $0x1BF5;
	[smem:$0x3FB1] =	sst s0  }
0x18: {  	s0 =	sld [smem:$0x3F94];
	_ =	swait.ge [sflag:s4], $0x0  }
0x19: {  	s7 =	sld [smem:$0x3F95]  }
0x1a: {  	s8 =	sadd.s32 $0xFFFFE003, lr  }
0x1b: {  	s9 =	sadd.s32 $0xFFFFFEF7, lr;
	s5 =	simm.s32 $0xFFFFFFFF;
	p2 =	slt.u32 s8, $0xFFFFF086  }
0x1c: {  	p1 =	slt.u32 s9, $0xF7A;
	s5 =	simm.s32 @!p2 $0x0  }
0x1d: {  	s5 =	simm.s32 @p1 $0x1;
	p0 =	seq.s32 s7, s2  }
0x1e: {  	s7 =	smul.u32 @!p0 $0xF7A, s2;
	p2 =	seq.s32 @!p0 s5, $0x0  }
0x1f: {  	s9 =	smul.u32 $0xF7A, s1;
	s8 =	simm.s32 @!p0 $0x1BF5;
	p2 =	por !p2, p0  }
0x20: {  	[sflag:s8] =	ssyncset.s32 @!p0 $0xFFFFF086;
	s6 =	sadd.s32 @!p0 s3, s7;
	s7 =	simm.s32 @!p0 $0x108  }
0x21: {  	s3 =	sadd.s32 s3, s9;
	s6 =	sadd.s32 @!p0 $0x88, s6;
	s7 =	simm.s32 @p2 $0x1082  }
0x22: {  	[simem:s7], [sflag:s8] =	dma.local @!p0 [hbm:s6], $0xF7A  }
0x23: {  	s9 =	sor.u32 $0xD0000000, s2;
	s6 =	simm.s32 $0x108;
	_ =	swait.ge @!p0 [sflag:s8], $0x0  }
0x24: {  	s3 =	sadd.s32 $0x88, s3;
	s6 =	simm.s32 @!p1 $0x1082;
	[sflag:s4] =	ssyncset.s32 $0xFFFFF086  }
0x25: {  	[simem:s6], [sflag:s4] =	dma.local [hbm:s3], $0xF7A  }
0x26: {  	[smem:$0x3F95] =	sst s1;
	(tag) =	ssettag s2;
	_ =	strace s9  }
0x27: {  	s1 =	sld [smem:$0x3FA5]  }
0x28: {  	s2 =	sld [smem:$0x3FA6]  }
0x29: {  	s4 =	sld [smem:$0x3FA8]  }
0x2a: {  	p0 =	seq.s32 s5, $0x0;
	s5 =	sld [smem:$0x3FA9]  }
0x2b: {  	s6 =	sld [smem:$0x3FAA]  }
0x2c: {  	s7 =	sld [smem:$0x3FAB]  }
0x2d: {  	s3 =	simm.s32 $0x108;
	s8 =	sld [smem:$0x3FAC]  }
0x2e: {  	s3 =	simm.s32 @!p0 $0x1082;
	s9 =	sld [smem:$0x3FAD]  }
0x2f: {  	lr =	sadd.s32 s0, s3;
	s0 =	sld [smem:$0x3FA4]  }
0x30: {  	s3 =	sld [smem:$0x3FA7]  }
0x31: {  	[smem:$0x3FB0] =	sst s10  }
0x32: {  	s10 =	sld [smem:$0x3FAE];
	_ =	sdelay $0x3  }
0x33: {  	p0 =	seq.s32 s10, $0x1;
	s10 =	sld [smem:$0x3FB0];
	_ =	sdelay $0x3  }
0x34: {  	[smem:$0x3FB0] =	sst s10  }
0x35: {  	s10 =	sld [smem:$0x3FAF];
	_ =	sdelay $0x3  }
0x36: {  	p1 =	seq.s32 s10, $0x1;
	s10 =	sld [smem:$0x3FB0];
	_ =	sdelay $0x3  }
0x37: {  	[smem:$0x3FB0] =	sst s10  }
0x38: {  	s10 =	sld [smem:$0x3FB1]  }
0x39: {  	_ = 	snop;
	(pc) =	sbr.ind lr, $3  }
0x3a: {  	_ = 	snop  }
0x3b: {  	_ = 	snop  }
0x3c: {  	p2 =	seq.s32 s10, $0x1;
	s10 =	sld [smem:$0x3FB0]  }
0x3d: {  	_ =	shalt  }
0x3e: {  	_ =	shalt  }
0x3f: {  	_ =	shalt  }
0x40: {  	_ =	shalt  }
0x41: {  	_ =	shalt  }
0x42: {  	_ =	shalt  }
0x43: {  	_ =	shalt  }
0x44: {  	_ =	shalt  }
0x45: {  	_ =	shalt  }
0x46: {  	_ =	shalt  }
0x47: {  	_ =	shalt  }
0x48: {  	_ =	shalt  }
0x49: {  	_ =	shalt  }
0x4a: {  	_ =	shalt  }
0x4b: {  	_ =	shalt  }
0x4c: {  	_ =	shalt  }
0x4d: {  	_ =	shalt  }
0x4e: {  	_ =	shalt  }
0x4f: {  	_ =	shalt  }
0x50: {  	_ =	shalt  }
0x51: {  	_ =	shalt  }
0x52: {  	_ =	shalt  }
0x53: {  	_ =	shalt  }
0x54: {  	_ =	shalt  }
0x55: {  	_ =	shalt  }
0x56: {  	_ =	shalt  }
0x57: {  	_ =	shalt  }
0x58: {  	_ =	shalt  }
0x59: {  	_ =	shalt  }
0x5a: {  	_ =	shalt  }
0x5b: {  	_ =	shalt  }
0x5c: {  	_ =	shalt  }
0x5d: {  	_ =	shalt  }
0x5e: {  	_ =	shalt  }
0x5f: {  	_ =	shalt  }
0x60: {  	_ =	shalt  }
0x61: {  	_ =	shalt  }
0x62: {  	_ =	shalt  }
0x63: {  	_ =	shalt  }
0x64: {  	_ =	shalt  }
0x65: {  	_ =	shalt  }
0x66: {  	_ =	shalt  }
0x67: {  	_ =	shalt  }
0x68: {  	_ =	shalt  }
0x69: {  	_ =	shalt  }
0x6a: {  	_ =	shalt  }
0x6b: {  	_ =	shalt  }
0x6c: {  	_ =	shalt  }
0x6d: {  	_ =	shalt  }
0x6e: {  	_ =	shalt  }
0x6f: {  	_ =	shalt  }
0x70: {  	_ =	shalt  }
0x71: {  	_ =	shalt  }
0x72: {  	_ =	shalt  }
0x73: {  	_ =	shalt  }
0x74: {  	_ =	shalt  }
0x75: {  	_ =	shalt  }
0x76: {  	_ =	shalt  }
0x77: {  	_ =	shalt  }
0x78: {  	_ =	shalt  }
0x79: {  	_ =	shalt  }
0x7a: {  	_ =	shalt  }
0x7b: {  	_ =	shalt  }
0x7c: {  	_ =	shalt  }
0x7d: {  	_ =	shalt  }
0x7e: {  	_ =	shalt  }
0x7f: {  	_ =	shalt  }
0x80: {  	_ =	shalt  }
0x81: {  	_ =	shalt  }
0x82: {  	_ =	shalt  }
0x83: {  	_ =	shalt  }
0x84: {  	_ =	shalt  }
0x85: {  	_ =	shalt  }
0x86: {  	_ =	shalt  }
0x87: {  	_ =	shalt  }
.Lfunc_end0:
.L_simem_size_0:
called_computation_lowered:
.L_overlay_start_0:
0x88: {  	s2 =	sld [smem:$0x3FD9]  }
0x89: {  	s3 =	sld [smem:$0x3FFE];
	_ =	sdelay $0x1  }
0x8a: {  	s1 =	srdreg.scid  }
0x8b: {  	s0 =	sand.u32 $0x1, s1  }
0x8c: {  	s17 =	sshll.u32 s0, $0xA;
	s2 =	sadd.s32 s3, s2  }
0x8d: {  	s2 =	sadd.s32 s2, s17  }
0x8e: {  	[smem:$0x3FBC] =	sst s2  }
0x8f: {  	_ = 	snop  }
0x90: {  	s2 =	sld [smem:$0x3FD0];
	(tm) =	ssettm $0x1  }
0x91: {  	s18 =	sld [smem:$0x3FFB];
	_ =	sdelay $0x3  }
0x92: {  	_ =	strace s18  }
0x93: {  	s3 =	sld [smem:$0x3FFC];
	_ =	sdelay $0x3  }
0x94: {  	_ =	strace s3  }
0x95: {  	s3 =	sld [smem:$0x3FFD];
	_ =	sdelay $0x3  }
0x96: {  	_ =	strace s3  }
0x97: {  	_ =	strace $0x8FFFFFFF  }
0x98: {  	s19 =	sld [smem:$0x3FDB];
	_ =	sdelay $0x1  }
0x99: {  	s4 =	simm.s32 $_scs_section_size  }
0x9a: {  	s5 =	simm.s32 $_size__tile_overlayer_lowered;
	s6 =	simm.s32 $_tile_overlayer_lowered  }
0x9b: {  	s22 =	simm.s32 $0x1BFF;
	s21 =	sshll.u32 s6, $0x1;
	s3 =	sadd.s32 s4, s19  }
0x9c: {  	s7 =	simm.s32 $0x0;
	s20 =	sshll.u32 s5, $0x1;
	s5 =	sadd.s32 s21, s3  }
0x9d: {  	[timem:s7], [sflag:s22] =	dma.local [hbm:s5], s20  }
0x9e: {  	_ =	swait.ge [sflag:s22], s20  }
0x9f: {  	s4 =	ssub.s32 $0x0, s20;
	[sflag:s22] =	ssyncset.done $0x0  }
0xa0: {  	[sflag:s22] =	ssyncadd.s32 s4;
	_ =	sdelay $0x1  }
0xa1: {  	s23 =	simm.s32 $0x1B8B  }
0xa2: {  	_ =	swait.ge [sflag:s23], $0x1  }
0xa3: {  	[sflag:s23] =	ssyncset.done $0x0  }
0xa4: {  	s25 =	simm.s32 $0x1B8E;
	s24 =	sld [smem:$0x3FFE];
	[sflag:s23] =	ssyncadd.s32 $0xFFFFFFFF  }
0xa5: {  	s26 =	simm.s32 $execute0_lowered;
	[smem:$0x3FD2] =	sst s25  }
0xa6: {  	s5 =	sshll.u32 s26, $0x1;
	_ =	strace $0x80000046;
	[dreg:$0x1] =	wrdreg $0xFFFFFFFF  }
0xa7: {  	s28 =	simm.s32 $_size_execute0_lowered;
	s3 =	sadd.s32 s3, s5;
	[dreg:$0x0] =	wrdreg $0x0  }
0xa8: {  	s5 =	sshll.u32 s28, $0x1;
	[dreg:$0x2] =	wrdreg s3  }
0xa9: {  	[dreg:$0x3] =	wrdreg s5  }
0xaa: {  	[dreg:$0x4] =	wrdreg $0xC0  }
0xab: {  	_ =	task [dreg:s7], $0x5FFFF  }
0xac: {  	[dreg:$0x1] =	wrdreg $0xFFFFFFFF  }
0xad: {  	[dreg:$0x0] =	wrdreg $0x60  }
0xae: {  	[dreg:$0x2] =	wrdreg s24  }
0xaf: {  	[dreg:$0x3] =	wrdreg s2  }
0xb0: {  	[dreg:$0x4] =	wrdreg $0xA8000  }
0xb1: {  	[dreg:$0x5] =	wrdreg $0x9  }
0xb2: {  	_ =	task.clear_ibuf [dreg:s7], $0x6FFFF;
	_ =	strace $0x90000046  }
0xb3: {  	s29 =	simm.s32 $0x9;
	_ =	strace $0x80000048  }
0xb4: {  	_ =	swait.ge [sflag:s29], $0x1  }
0xb5: {  	[sflag:s29] =	ssyncadd.s32 $0xFFFFFFFF  }
0xb6: {  	_ =	strace $0x90000048  }
0xb7: {  	_ =	sfence  }
0xb8: {  	s30 =	sld [smem:$0x0];
	_ =	sdelay $0x2  }
0xb9: {  	s31 =	sshll.u32 s1, $0xD;
	s1 =	sshrl.u32 s1, $0x2  }
0xba: {  	s3 =	sand.u32 $0x4000, s31;
	s1 =	sadd.s32 s1, s30  }
0xbb: {  	s0 =	sor.u32 s3, s0;
	s1 =	sshll.u32 s1, $0x11  }
0xbc: {  	s0 =	sor.u32 s1, s0  }
0xbd: {  	s0 =	sadd.s32 $0x8F2B, s0  }
0xbe: {  	[sflag:s0] =	ssyncadd.remote.s32 $0x1  }
0xbf: {  	_ =	sfence.sel $0xFFFF  }
0xc0: {  	[dreg:$0x0] =	wrdreg $0xFFFFFFFF;
	(pc) =	sbr.abs _section_cstart, $3  }
0xc1: {  	[dreg:$0x1] =	wrdreg $0xFFFFFFFF  }
0xc2: {  	_ =	task.clear_ibuf [dreg:s7], $0x2FFFF;
	_ =	strace $0x9FFFFFFF  }
0xc3: {  	(tm) =	ssettm $0x7FFFFFFF  }
tec
execute0_lowered:
.L_overlay_start_1:
0x0: {  	(tag) =	ssettag $0x1  }
0x1: {  	s5 =	rddreg [dreg:$0x0]  }
0x2: {  	s1 =	srdreg.scid;
	s7 =	rddreg [dreg:$0x1]  }
0x3: {  	s0 =	stileid.u32;
	s2 =	rddreg [dreg:$0x2]  }
0x4: {  	s3 =	simm.s32 $0x0;
	s14 =	simm.s32 $0x2800;
	s15 =	simm.s32 $0x6800  }
0x5: {  	s16 =	simm.s32 $0x1;
	s17 =	simm.s32 $0x2;
	s18 =	simm.s32 $0x1380  }
0x6: {  	s19 =	simm.s32 $0x2700;
	s20 =	simm.s32 $0x2780;
	s6 =	sand.u32 $0x1, s1  }
0x7: {  	s29 =	sshll.u32 s0, $0x1;
	s23 =	smul.u32 $0x2780, s0;
	[smem:$0x7FF] =	sst s3  }
0x8: {  	s4 =	sadd.s32 $0xC800, s5;
	s10 =	smul.u32 $0x4F000, s0;
	s31 =	sshll.u32 s0, $0x6  }
0x9: {  	s1 =	sor.u32 s6, s29;
	s9 =	smul.u32 $0x27800, s6;
	s6 =	ssub.s32 $0x2, s6  }
0xa: {  	s8 =	smul.u32 $0x500, s1;
	s1 =	rddreg [dreg:$0x3];
	_ =	strace $0x80000047  }
0xb: {  	s12 =	sadd.s32 s23, s5;
	s30 =	sshrl.u32 s6, $0x1;
	s10 =	sshrl.u32 s10, $0x2  }
0xc: {  	s9 =	sadd.s32 s9, s5;
	s13 =	ssub.s32 s6, s30;
	s10 =	sadd.s32 s10, s2  }
0xd: {  	s6 =	sor.u32 $0x1C03, s31;
	s11 =	sadd.s32 s8, s5;
	s5 =	sadd.s32 $0xA8C00, s12  }
0xe: {  	s7 =	sadd.s32 s7, s8;
	s24 =	sadd.s32 $0xD0400, s9;
	s9 =	smax.u32 s13, $0x1  }
0xf: {  	s10 =	sshrl.u32 s10, $0x3;
	s12 =	simm.s32 $0x1400;
	s13 =	simm.s32 $0x80  }
0x10: {  	s8 =	sadd.s32 $0x2800, s11;
	s11 =	simm.s32 $0x3;
	s21 =	sadd.s32 $0x280, s7  }
0x11: {  	s23 =	sadd.s32 s23, s24;
	s24 =	simm.s32 $0x0;
	s22 =	sadd.s32 $0x280, s8  }
.LBB2_1:
0x12: {  	[spmem:s10], [sflag:s6] =	dma.local [hbm:s5], $0x2780  }
0x13: {  	_ =	swait.ge [sflag:s11], $0x2780  }
0x14: {  	[sflag:s11] =	ssyncset.done $0x0  }
0x15: {  	[sflag:s11] =	ssyncadd.s32 $0xFFFFD880  }
0x16: {  	[bflag:$0x0] =	sbarrier.arrive $0xFFFF  }
0x17: {  	[tilespmem:s3], [sflag:$0x3] =	stream.linear.gather [hbm4b:s7+s3], $0x1400, $0x38;
	[tilespmem:$0x1E400] =	vst v63  }
0x18: {  	_ =	swait.ge [sflag:s11], $0x1400  }
0x19: {  	[sflag:s11] =	ssyncset.done $0x0  }
0x1a: {  	[sflag:s11] =	ssyncadd.s32 $0xFFFFEC00  }
0x1b: {  	[tilespmem:s12], [sflag:$0x3] =	stream.linear.gather [hbm4b:s8+s3], $0x1400, $0x38;
	[tilespmem:$0x1E400] =	vst v63  }
0x1c: {  	_ =	swait.ge [sflag:s11], $0x1400  }
0x1d: {  	[sflag:s11] =	ssyncset.done $0x0  }
0x1e: {  	[sflag:s11] =	ssyncadd.s32 $0xFFFFEC00  }
0x1f: {  	[tilespmem:s14], [sflag:$0x1] =	stream.indirect.gather [hbm4b:s4+s13], $0x80, s3, s13, $0xb8;
	[tilespmem:$0x1E400] =	vst v63  }
0x20: {  	s25 =	simm.s32 $0x80  }
0x21: {  	[tilespmem:s15], [sflag:$0x2] =	stream.indirect.gather [hbm4b:s4+s13], $0x80, s25, s13, $0xb8;
	[tilespmem:$0x1E400] =	vst v63  }
0x22: {  	_ =	swait.ge [sflag:s16], $0x4000  }
0x23: {  	[sflag:s16] =	ssyncset.done $0x0  }
0x24: {  	s29 =	simm.s32 $0x1400;
	[sflag:s16] =	ssyncadd.s32 $0xFFFFC000  }
0x25: {  	[spmem:s2] =	stream.indirect.scatter.add.f32 [tilespmem:s14], [sflag:$0x3], $0x80, s29, s13, $0xb8;
	[tilespmem:$0x1E400] =	vst v63  }
0x26: {  	_ =	swait.ge [sflag:s11], $0x4000  }
0x27: {  	[sflag:s11] =	ssyncset.done $0x0  }
0x28: {  	s30 =	simm.s32 $0x100;
	[sflag:s11] =	ssyncadd.s32 $0xFFFFC000  }
0x29: {  	[tilespmem:s14], [sflag:$0x1] =	stream.indirect.gather [hbm4b:s4+s13], $0x80, s30, s13, $0xb8;
	[tilespmem:$0x1E400] =	vst v63  }
0x2a: {  	_ =	swait.ge [sflag:s17], $0x4000  }
0x2b: {  	[sflag:s17] =	ssyncset.done $0x0  }
0x2c: {  	s31 =	simm.s32 $0x1480;
	[sflag:s17] =	ssyncadd.s32 $0xFFFFC000  }
0x2d: {  	[spmem:s2] =	stream.indirect.scatter.add.f32 [tilespmem:s15], [sflag:$0x3], $0x80, s31, s13, $0xb8;
	[tilespmem:$0x1E400] =	vst v63  }
0x2e: {  	_ =	swait.ge [sflag:s11], $0x4000  }
0x2f: {  	s26 =	simm.s32 $0x800;
	s25 =	simm.s32 $0x100;
	[sflag:s11] =	ssyncset.done $0x0  }
.LBB2_2:
0x30: {  	s28 =	sadd.s32 $0x80, s25  }
0x31: {  	[sflag:s11] =	ssyncadd.s32 $0xFFFFC000;
	s29 =	smov.u32 s26;
	s30 =	sadd.s32 $0x400, s26  }
0x32: {  	[tilespmem:s15], [sflag:$0x2] =	stream.indirect.gather [hbm4b:s4+s13], $0x80, s28, s13, $0xb8;
	[tilespmem:$0x1E400] =	vst v63  }
0x33: {  	p0 =	sne.s32 s26, $0x4800;
	_ =	swait.ge [sflag:s16], $0x4000  }
0x34: {  	[sflag:s16] =	ssyncset.done $0x0  }
0x35: {  	s26 =	sadd.s32 $0x1400, s25;
	[sflag:s16] =	ssyncadd.s32 $0xFFFFC000  }
0x36: {  	[spmem:s2] =	stream.indirect.scatter.add.f32 [tilespmem:s14], [sflag:$0x3], $0x80, s26, s13, $0xb8;
	[tilespmem:$0x1E400] =	vst v63  }
0x37: {  	_ =	swait.ge [sflag:s11], $0x4000  }
0x38: {  	[sflag:s11] =	ssyncset.done $0x0  }
0x39: {  	s26 =	sadd.s32 $0x100, s25;
	[sflag:s11] =	ssyncadd.s32 $0xFFFFC000  }
0x3a: {  	[tilespmem:s14], [sflag:$0x1] =	stream.indirect.gather [hbm4b:s4+s13], $0x80, s26, s13, $0xb8;
	[tilespmem:$0x1E400] =	vst v63  }
0x3b: {  	_ =	swait.ge [sflag:s17], $0x4000  }
.Ltmp0:
0x3c: {  	[sflag:s17] =	ssyncset.done $0x0;
	(pc) =	sbr.rel @p0 .LBB2_2-.Ltmp0, $4  }
0x3d: {  	s25 =	sadd.s32 $0x1480, s25;
	[sflag:s17] =	ssyncadd.s32 $0xFFFFC000  }
0x3e: {  	[spmem:s2] =	stream.indirect.scatter.add.f32 [tilespmem:s15], [sflag:$0x3], $0x80, s25, s13, $0xb8;
	[tilespmem:$0x1E400] =	vst v63  }
0x3f: {  	_ =	swait.ge [sflag:s11], $0x4000  }
0x40: {  	s26 =	smov.u32 s30;
	s25 =	sshra.s32 s29, $0x2;
	[sflag:s11] =	ssyncset.done $0x0  }
0x41: {  	s26 =	sadd.s32 $0x80, s25;
	[sflag:s11] =	ssyncadd.s32 $0xFFFFC000  }
0x42: {  	[tilespmem:s15], [sflag:$0x2] =	stream.indirect.gather [hbm4b:s4+s13], $0x80, s26, s13, $0xb8;
	[tilespmem:$0x1E400] =	vst v63  }
0x43: {  	_ =	swait.ge [sflag:s16], $0x4000  }
0x44: {  	[sflag:s16] =	ssyncset.done $0x0  }
0x45: {  	s29 =	sadd.s32 $0x1400, s25;
	[sflag:s16] =	ssyncadd.s32 $0xFFFFC000  }
0x46: {  	[spmem:s2] =	stream.indirect.scatter.add.f32 [tilespmem:s14], [sflag:$0x3], $0x80, s29, s13, $0xb8;
	[tilespmem:$0x1E400] =	vst v63  }
0x47: {  	_ =	swait.ge [sflag:s11], $0x4000  }
0x48: {  	[sflag:s11] =	ssyncset.done $0x0  }
0x49: {  	s30 =	sadd.s32 $0x100, s25;
	[sflag:s11] =	ssyncadd.s32 $0xFFFFC000  }
0x4a: {  	[tilespmem:s14], [sflag:$0x1] =	stream.indirect.gather [hbm4b:s4+s13], $0x80, s30, s13, $0xb8;
	[tilespmem:$0x1E400] =	vst v63  }
0x4b: {  	_ =	swait.ge [sflag:s17], $0x4000  }
0x4c: {  	[sflag:s17] =	ssyncset.done $0x0  }
0x4d: {  	s31 =	sadd.s32 $0x1480, s25;
	[sflag:s17] =	ssyncadd.s32 $0xFFFFC000  }
0x4e: {  	[spmem:s2] =	stream.indirect.scatter.add.f32 [tilespmem:s15], [sflag:$0x3], $0x80, s31, s13, $0xb8;
	[tilespmem:$0x1E400] =	vst v63  }
0x4f: {  	_ =	swait.ge [sflag:s11], $0x4000  }
0x50: {  	[sflag:s11] =	ssyncset.done $0x0  }
0x51: {  	[sflag:s11] =	ssyncadd.s32 $0xFFFFC000  }
0x52: {  	[tilespmem:s15], [sflag:$0x2] =	stream.indirect.gather [hbm4b:s4+s13], $0x80, s18, s13, $0xb8;
	[tilespmem:$0x1E400] =	vst v63  }
0x53: {  	_ =	swait.ge [sflag:s16], $0x4000  }
0x54: {  	[sflag:s16] =	ssyncset.done $0x0  }
0x55: {  	[sflag:s16] =	ssyncadd.s32 $0xFFFFC000  }
0x56: {  	[spmem:s2] =	stream.indirect.scatter.add.f32 [tilespmem:s14], [sflag:$0x3], $0x80, s19, s13, $0xb8;
	[tilespmem:$0x1E400] =	vst v63  }
0x57: {  	_ =	swait.ge [sflag:s11], $0x4000  }
0x58: {  	[sflag:s11] =	ssyncset.done $0x0  }
0x59: {  	[sflag:s11] =	ssyncadd.s32 $0xFFFFC000  }
0x5a: {  	_ =	swait.ge [sflag:s17], $0x4000  }
0x5b: {  	[sflag:s17] =	ssyncset.done $0x0  }
0x5c: {  	[sflag:s17] =	ssyncadd.s32 $0xFFFFC000  }
0x5d: {  	[spmem:s2] =	stream.indirect.scatter.add.f32 [tilespmem:s15], [sflag:$0x3], $0x80, s20, s13, $0xb8;
	[tilespmem:$0x1E400] =	vst v63  }
0x5e: {  	_ =	swait.ge [sflag:s11], $0x4000  }
0x5f: {  	[sflag:s11] =	ssyncset.done $0x0  }
0x60: {  	s26 =	simm.s32 $0x0;
	[sflag:s11] =	ssyncadd.s32 $0xFFFFC000  }
0x61: {  	[tilespmem:s26], [sflag:$0x3] =	stream.linear.gather [hbm4b:s21+s26], $0x1400, $0x38;
	[tilespmem:$0x1E400] =	vst v63  }
0x62: {  	_ =	swait.ge [sflag:s11], $0x1400  }
0x63: {  	[sflag:s11] =	ssyncset.done $0x0  }
0x64: {  	[sflag:s11] =	ssyncadd.s32 $0xFFFFEC00  }
0x65: {  	[tilespmem:s12], [sflag:$0x3] =	stream.linear.gather [hbm4b:s22+s26], $0x1400, $0x38;
	[tilespmem:$0x1E400] =	vst v63  }
0x66: {  	_ =	swait.ge [sflag:s11], $0x1400  }
0x67: {  	[sflag:s11] =	ssyncset.done $0x0  }
0x68: {  	[sflag:s11] =	ssyncadd.s32 $0xFFFFEC00  }
0x69: {  	[tilespmem:s14], [sflag:$0x1] =	stream.indirect.gather [hbm4b:s4+s13], $0x80, s26, s13, $0xb8;
	[tilespmem:$0x1E400] =	vst v63  }
0x6a: {  	s28 =	simm.s32 $0x80  }
0x6b: {  	[tilespmem:s15], [sflag:$0x2] =	stream.indirect.gather [hbm4b:s4+s13], $0x80, s28, s13, $0xb8;
	[tilespmem:$0x1E400] =	vst v63  }
0x6c: {  	_ =	swait.ge [sflag:s16], $0x4000  }
0x6d: {  	[sflag:s16] =	ssyncset.done $0x0  }
0x6e: {  	s29 =	simm.s32 $0x1400;
	[sflag:s16] =	ssyncadd.s32 $0xFFFFC000  }
0x6f: {  	[spmem:s2] =	stream.indirect.scatter.add.f32 [tilespmem:s14], [sflag:$0x3], $0x80, s29, s13, $0xb8;
	[tilespmem:$0x1E400] =	vst v63  }
0x70: {  	_ =	swait.ge [sflag:s11], $0x4000  }
0x71: {  	[sflag:s11] =	ssyncset.done $0x0  }
0x72: {  	s30 =	simm.s32 $0x100;
	[sflag:s11] =	ssyncadd.s32 $0xFFFFC000  }
0x73: {  	[tilespmem:s14], [sflag:$0x1] =	stream.indirect.gather [hbm4b:s4+s13], $0x80, s30, s13, $0xb8;
	[tilespmem:$0x1E400] =	vst v63  }
0x74: {  	_ =	swait.ge [sflag:s17], $0x4000  }
0x75: {  	[sflag:s17] =	ssyncset.done $0x0  }
0x76: {  	s31 =	simm.s32 $0x1480;
	[sflag:s17] =	ssyncadd.s32 $0xFFFFC000  }
0x77: {  	[spmem:s2] =	stream.indirect.scatter.add.f32 [tilespmem:s15], [sflag:$0x3], $0x80, s31, s13, $0xb8;
	[tilespmem:$0x1E400] =	vst v63  }
0x78: {  	_ =	swait.ge [sflag:s11], $0x4000  }
0x79: {  	s25 =	simm.s32 $0x100;
	s26 =	simm.s32 $0x800;
	[sflag:s11] =	ssyncset.done $0x0  }
.LBB2_4:
0x7a: {  	s28 =	sadd.s32 $0x80, s25  }
0x7b: {  	[sflag:s11] =	ssyncadd.s32 $0xFFFFC000;
	s29 =	smov.u32 s26;
	s30 =	sadd.s32 $0x400, s26  }
0x7c: {  	[tilespmem:s15], [sflag:$0x2] =	stream.indirect.gather [hbm4b:s4+s13], $0x80, s28, s13, $0xb8;
	[tilespmem:$0x1E400] =	vst v63  }
0x7d: {  	p0 =	sne.s32 s26, $0x4800;
	_ =	swait.ge [sflag:s16], $0x4000  }
0x7e: {  	[sflag:s16] =	ssyncset.done $0x0  }
0x7f: {  	s26 =	sadd.s32 $0x1400, s25;
	[sflag:s16] =	ssyncadd.s32 $0xFFFFC000  }
0x80: {  	[spmem:s2] =	stream.indirect.scatter.add.f32 [tilespmem:s14], [sflag:$0x3], $0x80, s26, s13, $0xb8;
	[tilespmem:$0x1E400] =	vst v63  }
0x81: {  	_ =	swait.ge [sflag:s11], $0x4000  }
0x82: {  	[sflag:s11] =	ssyncset.done $0x0  }
0x83: {  	s26 =	sadd.s32 $0x100, s25;
	[sflag:s11] =	ssyncadd.s32 $0xFFFFC000  }
0x84: {  	[tilespmem:s14], [sflag:$0x1] =	stream.indirect.gather [hbm4b:s4+s13], $0x80, s26, s13, $0xb8;
	[tilespmem:$0x1E400] =	vst v63  }
0x85: {  	_ =	swait.ge [sflag:s17], $0x4000  }
.Ltmp1:
0x86: {  	[sflag:s17] =	ssyncset.done $0x0;
	(pc) =	sbr.rel @p0 .LBB2_4-.Ltmp1, $4  }
0x87: {  	s25 =	sadd.s32 $0x1480, s25;
	[sflag:s17] =	ssyncadd.s32 $0xFFFFC000  }
0x88: {  	[spmem:s2] =	stream.indirect.scatter.add.f32 [tilespmem:s15], [sflag:$0x3], $0x80, s25, s13, $0xb8;
	[tilespmem:$0x1E400] =	vst v63  }
0x89: {  	_ =	swait.ge [sflag:s11], $0x4000  }
0x8a: {  	s26 =	smov.u32 s30;
	s25 =	sshra.s32 s29, $0x2;
	[sflag:s11] =	ssyncset.done $0x0  }
0x8b: {  	s26 =	sadd.s32 $0x80, s25;
	[sflag:s11] =	ssyncadd.s32 $0xFFFFC000  }
0x8c: {  	[tilespmem:s15], [sflag:$0x2] =	stream.indirect.gather [hbm4b:s4+s13], $0x80, s26, s13, $0xb8;
	[tilespmem:$0x1E400] =	vst v63  }
0x8d: {  	_ =	swait.ge [sflag:s16], $0x4000  }
0x8e: {  	[sflag:s16] =	ssyncset.done $0x0  }
0x8f: {  	s29 =	sadd.s32 $0x1400, s25;
	[sflag:s16] =	ssyncadd.s32 $0xFFFFC000  }
0x90: {  	[spmem:s2] =	stream.indirect.scatter.add.f32 [tilespmem:s14], [sflag:$0x3], $0x80, s29, s13, $0xb8;
	[tilespmem:$0x1E400] =	vst v63  }
0x91: {  	_ =	swait.ge [sflag:s11], $0x4000  }
0x92: {  	[sflag:s11] =	ssyncset.done $0x0  }
0x93: {  	s30 =	sadd.s32 $0x100, s25;
	[sflag:s11] =	ssyncadd.s32 $0xFFFFC000  }
0x94: {  	[tilespmem:s14], [sflag:$0x1] =	stream.indirect.gather [hbm4b:s4+s13], $0x80, s30, s13, $0xb8;
	[tilespmem:$0x1E400] =	vst v63  }
0x95: {  	_ =	swait.ge [sflag:s17], $0x4000  }
0x96: {  	[sflag:s17] =	ssyncset.done $0x0  }
0x97: {  	s31 =	sadd.s32 $0x1480, s25;
	[sflag:s17] =	ssyncadd.s32 $0xFFFFC000  }
0x98: {  	[spmem:s2] =	stream.indirect.scatter.add.f32 [tilespmem:s15], [sflag:$0x3], $0x80, s31, s13, $0xb8;
	[tilespmem:$0x1E400] =	vst v63  }
0x99: {  	_ =	swait.ge [sflag:s11], $0x4000  }
0x9a: {  	[sflag:s11] =	ssyncset.done $0x0  }
0x9b: {  	[sflag:s11] =	ssyncadd.s32 $0xFFFFC000  }
0x9c: {  	[tilespmem:s15], [sflag:$0x2] =	stream.indirect.gather [hbm4b:s4+s13], $0x80, s18, s13, $0xb8;
	[tilespmem:$0x1E400] =	vst v63  }
0x9d: {  	_ =	swait.ge [sflag:s16], $0x4000  }
0x9e: {  	[sflag:s16] =	ssyncset.done $0x0  }
0x9f: {  	[sflag:s16] =	ssyncadd.s32 $0xFFFFC000  }
0xa0: {  	[spmem:s2] =	stream.indirect.scatter.add.f32 [tilespmem:s14], [sflag:$0x3], $0x80, s19, s13, $0xb8;
	[tilespmem:$0x1E400] =	vst v63  }
0xa1: {  	_ =	swait.ge [sflag:s11], $0x4000  }
0xa2: {  	[sflag:s11] =	ssyncset.done $0x0  }
0xa3: {  	[sflag:s11] =	ssyncadd.s32 $0xFFFFC000  }
0xa4: {  	_ =	swait.ge [sflag:s17], $0x4000  }
0xa5: {  	[sflag:s17] =	ssyncset.done $0x0  }
0xa6: {  	[sflag:s17] =	ssyncadd.s32 $0xFFFFC000  }
0xa7: {  	[spmem:s2] =	stream.indirect.scatter.add.f32 [tilespmem:s15], [sflag:$0x3], $0x80, s20, s13, $0xb8;
	[tilespmem:$0x1E400] =	vst v63  }
0xa8: {  	_ =	swait.ge [sflag:s11], $0x4000  }
0xa9: {  	s24 =	sadd.s32 $0x1, s24;
	[sflag:s11] =	ssyncset.done $0x0  }
0xaa: {  	p0 =	sne.s32 s24, s9;
	[sflag:s11] =	ssyncadd.s32 $0xFFFFC000  }
.Ltmp2:
0xab: {  	[bflag:$0x0] =	sbarrier.arrive $0xFFFF;
	(pc) =	sbr.rel @p0 .LBB2_1-.Ltmp2, $4  }
0xac: {  	[hbm:s23], [sflag:s6] =	dma.local [spmem:s10], $0x2780  }
0xad: {  	_ =	swait.ge [sflag:s11], $0x2780  }
0xae: {  	[sflag:s11] =	ssyncset.done $0x0  }
0xaf: {  	[sflag:s11] =	ssyncadd.s32 $0xFFFFD880  }
0xb0: {  	_ =	sfence.sel $0x180000  }
0xb1: {  	[bflag:$0x0] =	sbarrier.arrive $0xFFFF  }
0xb2: {  	p0 =	sne.s32 s0, $0x0;
	_ =	strace $0x90000047  }
0xb3: {  	s0 =	sadd.s32 @!p0 $0x100000, s1;
	[bflag:$0x2] =	sbarrier.arrive $0xFFFF  }
0xb4: {  	[sflag:s0] =	ssyncadd.tile.s32 @!p0 $0x1;
	_ =	shalt  }
.Lfunc_end2:
_tile_overlayer_lowered:
.L_overlay_start_2:
0xb5: {  	(tag) =	ssettag $0x2  }
0xb6: {  	s0 =	rddreg [dreg:$0x0];
	s2 =	stileid.u32  }
0xb7: {  	s1 =	rddreg [dreg:$0x1];
	p0 =	sne.s32 s2, $0x0  }
0xb8: {  	s3 =	rddreg [dreg:$0x2];
	[bflag:$0x3] =	sbarrier.arrive $0xFFFF;
	s2 =	simm.s32 @!p0 $0x1C03  }
0xb9: {  	[timem:s3], [sflag:s2] =	dma.local @!p0 [hbm:s0], s1  }
0xba: {  	s0 =	simm.s32 @!p0 $0x3  }
0xbb: {  	_ =	swait.ge @!p0 [sflag:s0], s1  }
0xbc: {  	s1 =	ssub.s32 @!p0 $0x0, s1;
	[sflag:s0] =	ssyncset.done @!p0 $0x0  }
0xbd: {  	[sflag:s0] =	ssyncadd.s32 @!p0 s1  }
0xbe: {  	[bflag:$0x3] =	sbarrier.arrive $0xFFFF  }
0xbf: {  	_ =	shalt  }

</sc_bundles>
